<compile_context>
chip_gen: v7x
topology: tpu7x:2x2x1
jax: 0.10.2.dev20260603
libtpu: 0.0.44.dev20260713+nightly
codegen_flags: <defaults>
</compile_context>

<pallas_src>
import jax
import jax.numpy as jnp
from jax import lax
from jax.experimental import pallas as pl
from jax.experimental.pallas import tpu as pltpu
from jax.experimental.pallas import tpu_sc as plsc

_R, _N, _K, _D, _H = 16, 4096, 128, 128, 128
_NEG = -1000000000.0
_LANES = 16
_KH = _K // 2


def _sc_body(x_hbm, maskflat_hbm, cidx_hbm, rows_out, mbits_out,
             cidx_v, idx_v, mb_v, rows_v, sem1, sem2):
    wid = lax.axis_index("s") * 2 + lax.axis_index("c")
    robot = wid // 2
    half = wid % 2

    pltpu.sync_copy(cidx_hbm.at[robot], cidx_v)
    base = robot * _N
    off = half * _KH
    for c in range(_KH // _LANES):
        ci = cidx_v[pl.ds(off + c * _LANES, _LANES)]
        idx_v[pl.ds(c * _LANES, _LANES)] = ci + base

    g_rows = pltpu.async_copy(x_hbm.at[idx_v], rows_v, sem1)
    g_bits = pltpu.async_copy(maskflat_hbm.at[idx_v], mb_v, sem2)
    g_rows.wait()
    g_bits.wait()

    pltpu.sync_copy(rows_v, rows_out.at[pl.ds(wid * _KH, _KH)])
    pltpu.sync_copy(mb_v, mbits_out.at[wid])


def _sc_gather(x_flat, maskflat, cand_idx):
    mesh = plsc.VectorSubcoreMesh(core_axis_name="c", subcore_axis_name="s")
    f = pl.kernel(
        _sc_body,
        mesh=mesh,
        compiler_params=pltpu.CompilerParams(needs_layout_passes=False),
        out_type=[
            jax.ShapeDtypeStruct((_R * _K, _D), jnp.float32),
            jax.ShapeDtypeStruct((2 * _R, _KH), jnp.int32),
        ],
        scratch_types=[
            pltpu.VMEM((_K,), jnp.int32),
            pltpu.VMEM((_KH,), jnp.int32),
            pltpu.VMEM((_KH,), jnp.int32),
            pltpu.VMEM((_KH, _D), jnp.float32),
            pltpu.SemaphoreType.DMA,
            pltpu.SemaphoreType.DMA,
        ],
    )
    return f(x_flat, maskflat, cand_idx)


def _tc_body(maskf_ref, x_ref, rows_ref, mbits_ref, cidx_ref, cmask_ref,
             wea_ref, bea_ref, wec_ref, bec_ref, lng_ref, lnb_ref,
             wa_ref, ba_ref, watt_ref, batt_ref,
             wc1_ref, bc1_ref, wc2_ref, bc2_ref,
             logits_ref, v_ref, sx_ref):
    i = pl.program_id(0)

    m = maskf_ref[pl.ds(i, 1), :]
    nq = _N // 4
    parts = [
        jnp.dot(m[:, q * nq:(q + 1) * nq], x_ref[0][q * nq:(q + 1) * nq, :],
                preferred_element_type=jnp.float32)
        for q in range(4)
    ]
    sx_ref[pl.ds(i, 1), :] = (parts[0] + parts[1]) + (parts[2] + parts[3])

    n_i = jnp.sum(m)
    empty = n_i == 0.0
    rows = rows_ref[...] * jnp.where(empty, 0.0, 1.0)
    h = jnp.dot(rows, wea_ref[...],
                preferred_element_type=jnp.float32) + bea_ref[...]
    mu = jnp.mean(h, axis=-1, keepdims=True)
    d = h - mu
    var = jnp.mean(d * d, axis=-1, keepdims=True)
    hn = d * lax.rsqrt(var + 1e-5) * lng_ref[...] + lnb_ref[...]
    sc = lax.dot_general(wa_ref[...], hn, (((1,), (1,)), ((), ())),
                         preferred_element_type=jnp.float32)
    vals = jnp.tanh(sc + ba_ref[...]) * 5.0

    ci_row = cidx_ref[pl.ds(i, 1), :]
    cm_row = cmask_ref[pl.ds(i, 1), :]
    mb_row = mbits_ref[pl.ds(i, 1), :]
    cif = (ci_row == 0).astype(jnp.float32)
    mbf = (mb_row > 0).astype(jnp.float32)
    cmf = (cm_row > 0).astype(jnp.float32)
    vf = cmf * jnp.where(empty, cif, mbf)

    kiota = lax.broadcasted_iota(jnp.int32, (_K, _K), 0)
    jiota = lax.broadcasted_iota(jnp.int32, (_K, _K), 1)
    vb = jnp.broadcast_to(vf, (_K, _K))
    excl = jnp.sum(jnp.where(jiota < kiota, vb, 0.0), axis=1, keepdims=True)
    vcol = jnp.sum(jnp.where(jiota == kiota, vb, 0.0), axis=1, keepdims=True)
    onehot = ((excl == jiota.astype(jnp.float32)) & (vcol > 0)
              ).astype(jnp.float32)
    compacted = lax.dot_general(vals, onehot, (((1,), (0,)), ((), ())),
                                preferred_element_type=jnp.float32)
    nv = jnp.sum(vf)
    lane = lax.broadcasted_iota(jnp.int32, (1, _K), 1).astype(jnp.float32)
    logits_ref[pl.ds(i, 1), :] = jnp.where(lane < nv, compacted, _NEG)

    @pl.when(i == _R - 1)
    def _():
        nvec = jnp.sum(maskf_ref[...], axis=1, keepdims=True)
        denom = jnp.maximum(nvec, 1.0)
        emb = jnp.dot(sx_ref[...] / denom, wec_ref[...],
                      preferred_element_type=jnp.float32) + bec_ref[...]
        a = lax.dot_general(watt_ref[...], emb, (((1,), (1,)), ((), ())),
                            preferred_element_type=jnp.float32) + batt_ref[...]
        a = a - jnp.max(a, axis=-1, keepdims=True)
        e = jnp.exp(a)
        w = e / jnp.sum(e, axis=-1, keepdims=True)
        g = jnp.dot(w, emb, preferred_element_type=jnp.float32)
        hmid = jnp.maximum(
            jnp.dot(g, wc1_ref[...],
                    preferred_element_type=jnp.float32) + bc1_ref[...], 0.0)
        v_ref[...] = (jnp.sum(hmid * wc2_ref[...], axis=-1, keepdims=True)
                      + bc2_ref[...])


def _tc_head(maskf, x, rows, mbits, cidx, cmask,
             wea, bea, wec, bec, lng, lnb,
             wa, ba, watt, batt, wc1, bc1, wc2, bc2):
    full = lambda shape: pl.BlockSpec(shape, lambda i: tuple(0 for _ in shape))
    return pl.pallas_call(
        _tc_body,
        grid=(_R,),
        in_specs=[
            full((_R, _N)),
            pl.BlockSpec((1, _N, _D), lambda i: (i, 0, 0)),
            pl.BlockSpec((_K, _D), lambda i: (i, 0)),
            full((_R, _K)),
            full((_R, _K)),
            full((_R, _K)),
            full((_D, _H)), full((1, _H)),
            full((_D, _H)), full((1, _H)),
            full((1, _H)), full((1, _H)),
            full((1, _H)), full((1, 1)),
            full((1, _H)), full((1, 1)),
            full((_H, _H)), full((1, _H)),
            full((1, _H)), full((1, 1)),
        ],
        out_specs=[
            pl.BlockSpec((_R, _K), lambda i: (0, 0)),
            pl.BlockSpec((1, 1), lambda i: (0, 0)),
        ],
        out_shape=[
            jax.ShapeDtypeStruct((_R, _K), jnp.float32),
            jax.ShapeDtypeStruct((1, 1), jnp.float32),
        ],
        scratch_shapes=[pltpu.VMEM((_R, _D), jnp.float32)],
    )(maskf, x, rows, mbits, cidx, cmask, wea, bea, wec, bec, lng, lnb,
      wa, ba, watt, batt, wc1, bc1, wc2, bc2)


def kernel(x, node_mask, cand_idx, cand_mask,
           W_enc_a, b_enc_a, W_enc_c, b_enc_c, ln_g, ln_b,
           W_actor, b_actor, W_attn, b_attn, W_c1, b_c1, W_c2, b_c2):
    maskf = node_mask.astype(jnp.float32)
    maskflat = node_mask.astype(jnp.int32).reshape(_R * _N)
    cmask_i32 = cand_mask.astype(jnp.int32)
    x_flat = x.reshape(_R * _N, _D)

    rows, mbits_h = _sc_gather(x_flat, maskflat, cand_idx)
    mbits = mbits_h.reshape(_R, _K)

    logits, v = _tc_head(
        maskf, x, rows, mbits, cand_idx, cmask_i32,
        W_enc_a, b_enc_a.reshape(1, _H),
        W_enc_c, b_enc_c.reshape(1, _H),
        ln_g.reshape(1, _H), ln_b.reshape(1, _H),
        W_actor.reshape(1, _H), b_actor.reshape(1, 1),
        W_attn.reshape(1, _H), b_attn.reshape(1, 1),
        W_c1, b_c1.reshape(1, _H),
        W_c2.reshape(1, _H), b_c2.reshape(1, 1),
    )
    return logits, v.reshape(())

# --- scband reference (transcript-rebuilt; emitter-appended) ---
"""Pipeline reference for scband-ego-actor-critic-55482387530362 (READ-ONLY COPY).

The authoritative reference and input builder live on the scoring server;
editing this copy changes nothing except your own understanding.
"""

import jax, jax.numpy as jnp
import numpy as np

R, N_MAX, K_MAX, IN_DIM, HIDDEN = 16, 4096, 128, 128, 128


def setup_inputs(seed: int = 0) -> dict:
    key = jax.random.key(seed)
    ks = jax.random.split(key, 20)
    x = jax.random.normal(ks[0], (R, N_MAX, IN_DIM), dtype=jnp.float32)
    node_mask = jax.random.randint(ks[1], (R, N_MAX), 0, 2) > 0
    cand_idx = jax.random.randint(ks[2], (R, K_MAX), 0, N_MAX)
    cand_mask = jax.random.randint(ks[3], (R, K_MAX), 0, 2) > 0

    def lin(k, fan_in, shape):
        s = 1.0 / np.sqrt(fan_in)
        return jax.random.uniform(k, shape, minval=-s, maxval=s, dtype=jnp.float32)

    return dict(
        x=x, node_mask=node_mask, cand_idx=cand_idx, cand_mask=cand_mask,
        W_enc_a=lin(ks[4], IN_DIM, (IN_DIM, HIDDEN)), b_enc_a=lin(ks[5], IN_DIM, (HIDDEN,)),
        W_enc_c=lin(ks[6], IN_DIM, (IN_DIM, HIDDEN)), b_enc_c=lin(ks[7], IN_DIM, (HIDDEN,)),
        ln_g=jnp.ones((HIDDEN,), dtype=jnp.float32), ln_b=jnp.zeros((HIDDEN,), dtype=jnp.float32),
        W_actor=lin(ks[8], HIDDEN, (HIDDEN, 1)), b_actor=lin(ks[9], HIDDEN, (1,)),
        W_attn=lin(ks[10], HIDDEN, (HIDDEN, 1)), b_attn=lin(ks[11], HIDDEN, (1,)),
        W_c1=lin(ks[12], HIDDEN, (HIDDEN, HIDDEN)), b_c1=lin(ks[13], HIDDEN, (HIDDEN,)),
        W_c2=lin(ks[14], HIDDEN, (HIDDEN, 1)), b_c2=lin(ks[15], HIDDEN, (1,)),
    )


def reference(x, node_mask, cand_idx, cand_mask,
              W_enc_a, b_enc_a, W_enc_c, b_enc_c, ln_g, ln_b,
              W_actor, b_actor, W_attn, b_attn, W_c1, b_c1, W_c2, b_c2):
    Rr, N_max, in_dim = x.shape
    K_max = cand_mask.shape[1]
    logits_list = []
    robot_embeds = []
    for i in range(Rr):
        mask_i = node_mask[i]
        n_i = jnp.sum(mask_i.astype(jnp.int32))
        is_empty = n_i == 0
        # actor branch (dummy backbone = single linear), computed per node row
        h_a = x[i] @ W_enc_a + b_enc_a
        mu = h_a.mean(axis=-1, keepdims=True)
        var = ((h_a - mu) ** 2).mean(axis=-1, keepdims=True)
        h_n = (h_a - mu) / jnp.sqrt(var + 1e-5) * ln_g + ln_b
        scores_full = (h_n @ W_actor + b_actor)[:, 0]
        # score of the synthetic zero row used when no node is selected
        h0 = b_enc_a
        mu0 = h0.mean()
        var0 = ((h0 - mu0) ** 2).mean()
        h0n = (h0 - mu0) / jnp.sqrt(var0 + 1e-5) * ln_g + ln_b
        s0 = (h0n @ W_actor + b_actor)[0]
        cand_raw = cand_idx[i]
        valid = cand_mask[i] & jnp.where(is_empty, cand_raw == 0, mask_i[cand_raw])
        vals = jnp.where(is_empty, jnp.tanh(s0) * 5.0, jnp.tanh(scores_full[cand_raw]) * 5.0)
        li = jnp.where(valid, vals, jnp.float32(-1000000000.0))
        perm = jnp.argsort(jnp.where(valid, 0, 1), stable=True)
        logits_list.append(li[perm])
        # critic branch
        h_c = x[i] @ W_enc_c + b_enc_c
        rperm = jnp.argsort(jnp.where(mask_i, 0, 1), stable=True)
        h_sel = jnp.where(mask_i[rperm][:, None], h_c[rperm], 0.0)
        denom = jnp.where(is_empty, 1, n_i).astype(jnp.float32)
        emb = jnp.where(is_empty, b_enc_c, h_sel.sum(axis=0) / denom)
        robot_embeds.append(emb)
    logits = jnp.stack(logits_list, axis=0)
    E = jnp.stack(robot_embeds, axis=0)
    a = (E @ W_attn + b_attn)[:, 0]
    w = jax.nn.softmax(a, axis=0)[:, None]
    g = (w * E).sum(axis=0, keepdims=True)
    hmid = jax.nn.relu(g @ W_c1 + b_c1)
    v = (hmid @ W_c2 + b_c2).reshape(())
    return logits, v

if __name__ == "__main__":
    import jax
    _d = setup_inputs()
    print(jax.jit(kernel)(*tuple(_d.values())))

</pallas_src>

<mosaic_0001>
#map = affine_map<(d0, d1) -> (0, 0)>
#map1 = affine_map<(d0, d1) -> (0)>
module attributes {stable_mosaic.version = 14 : i64} {
  func.func @_sc_body(%arg0: i32, %arg1: i32, %arg2: memref<65536x128xf32, #tpu.memory_space<hbm>>, %arg3: memref<65536xi32, #tpu.memory_space<hbm>>, %arg4: memref<16x128xi32, #tpu.memory_space<hbm>>, %arg5: memref<2048x128xf32, #tpu.memory_space<hbm>>, %arg6: memref<32x64xi32, #tpu.memory_space<hbm>>, %arg7: memref<128xi32, #tpu.memory_space<vmem>>, %arg8: memref<64xi32, #tpu.memory_space<vmem>>, %arg9: memref<64xi32, #tpu.memory_space<vmem>>, %arg10: memref<64x128xf32, #tpu.memory_space<vmem>>, %arg11: memref<!tpu.dma_semaphore, #tpu.memory_space<semaphore_mem>>, %arg12: memref<!tpu.dma_semaphore, #tpu.memory_space<semaphore_mem>>) attributes {dimension_semantics = [#tpu.dimension_semantics<core_parallel>, #tpu.dimension_semantics<subcore_parallel>], iteration_bounds = array<i64: 2, 16>, scalar_prefetch = 0 : i64, scratch_operands = 6 : i64, tpu.core_type = #tpu.core_type<sc_vector_subcore>, window_params = [{transform_indices = #map}, {transform_indices = #map1}, {transform_indices = #map}, {transform_indices = #map}, {transform_indices = #map}]} {
    %mul3A = arith.constant 2 : i32
    %mul3A_0 = arith.muli %arg1, %mul3A : i32
    %add3A = arith.addi %mul3A_0, %arg0 : i32
    %jit3A = arith.constant 2 : i32
    %div3A = arith.divsi %add3A, %jit3A : i32
    %sign3A = arith.constant 0 : i32
    %sign3A_1 = arith.cmpi sgt, %add3A, %sign3A : i32
    %sign3A_2 = arith.extui %sign3A_1 : i1 to i32
    %sign3A_3 = arith.constant 0 : i32
    %sign3A_4 = arith.cmpi slt, %add3A, %sign3A_3 : i32
    %sign3A_5 = arith.extui %sign3A_4 : i1 to i32
    %sign3A_6 = arith.subi %sign3A_2, %sign3A_5 : i32
    %sign3A_7 = arith.constant 0 : i32
    %sign3A_8 = arith.cmpi sgt, %jit3A, %sign3A_7 : i32
    %sign3A_9 = arith.extui %sign3A_8 : i1 to i32
    %sign3A_10 = arith.constant 0 : i32
    %sign3A_11 = arith.cmpi slt, %jit3A, %sign3A_10 : i32
    %sign3A_12 = arith.extui %sign3A_11 : i1 to i32
    %sign3A_13 = arith.subi %sign3A_9, %sign3A_12 : i32
    %ne3A = arith.cmpi ne, %sign3A_6, %sign3A_13 : i32
    %rem3A = arith.remsi %add3A, %jit3A : i32
    %ne3A_14 = arith.constant 0 : i32
    %ne3A_15 = arith.cmpi ne, %rem3A, %ne3A_14 : i32
    %and3A = arith.andi %ne3A, %ne3A_15 : i1
    %sub3A = arith.constant 1 : i32
    %sub3A_16 = arith.subi %div3A, %sub3A : i32
    %select_n3A = arith.select %and3A, %sub3A_16, %div3A : i32
    %jit3A_17 = arith.constant 2 : i32
    %eq3A = arith.constant 0 : i32
    %eq3A_18 = arith.cmpi eq, %jit3A_17, %eq3A : i32
    %jit3A_19 = arith.constant 1 : i32
    %select_n3A_20 = arith.select %eq3A_18, %jit3A_19, %jit3A_17 : i32
    %rem3A_21 = arith.remsi %add3A, %select_n3A_20 : i32
    %ne3A_22 = arith.constant 0 : i32
    %ne3A_23 = arith.cmpi ne, %rem3A_21, %ne3A_22 : i32
    %lt3A = arith.constant 0 : i32
    %lt3A_24 = arith.cmpi slt, %rem3A_21, %lt3A : i32
    %lt3A_25 = arith.constant 0 : i32
    %lt3A_26 = arith.cmpi slt, %select_n3A_20, %lt3A_25 : i32
    %ne3A_27 = arith.xori %lt3A_24, %lt3A_26 : i1
    %and3A_28 = arith.andi %ne3A_27, %ne3A_23 : i1
    %add3A_29 = arith.addi %rem3A_21, %select_n3A_20 : i32
    %select_n3A_30 = arith.select %and3A_28, %add3A_29, %rem3A_21 : i32
    "tpu.region"() ({
      %run_scoped3A = tpu.sem_alloc : memref<!tpu.dma_semaphore, #tpu.memory_space<semaphore_mem>>
      %dma_start3A_75 = arith.constant 0 : i32
      %dma_start3A_76 = tpu.memref_slice %arg4[%select_n3A, %dma_start3A_75] : memref<16x128xi32, #tpu.memory_space<hbm>> -> memref<1x128xi32, #tpu.memory_space<hbm>>
      %dma_start3A_77 = tpu.memref_squeeze %dma_start3A_76 : memref<1x128xi32, #tpu.memory_space<hbm>> -> memref<128xi32, #tpu.memory_space<hbm>>
      %dma_start3A_78 = arith.constant 0 : i32
      %dma_start3A_79 = tpu.memref_slice %arg4[%select_n3A, %dma_start3A_78] : memref<16x128xi32, #tpu.memory_space<hbm>> -> memref<1x128xi32, #tpu.memory_space<hbm>>
      %dma_start3A_80 = tpu.memref_squeeze %dma_start3A_79 : memref<1x128xi32, #tpu.memory_space<hbm>> -> memref<128xi32, #tpu.memory_space<hbm>>
      tpu.enqueue_dma source(%dma_start3A_80 : memref<128xi32, #tpu.memory_space<hbm>>) target(%arg7 : memref<128xi32, #tpu.memory_space<vmem>>) target_semaphore(%run_scoped3A : memref<!tpu.dma_semaphore, #tpu.memory_space<semaphore_mem>>)
      %dma_wait3A_81 = arith.constant 0 : i32
      %dma_wait3A_82 = tpu.memref_slice %arg4[%select_n3A, %dma_wait3A_81] : memref<16x128xi32, #tpu.memory_space<hbm>> -> memref<1x128xi32, #tpu.memory_space<hbm>>
      %dma_wait3A_83 = tpu.memref_squeeze %dma_wait3A_82 : memref<1x128xi32, #tpu.memory_space<hbm>> -> memref<128xi32, #tpu.memory_space<hbm>>
      %dma_wait3A_84 = arith.constant 0 : i32
      %dma_wait3A_85 = tpu.memref_slice %arg4[%select_n3A, %dma_wait3A_84] : memref<16x128xi32, #tpu.memory_space<hbm>> -> memref<1x128xi32, #tpu.memory_space<hbm>>
      %dma_wait3A_86 = tpu.memref_squeeze %dma_wait3A_85 : memref<1x128xi32, #tpu.memory_space<hbm>> -> memref<128xi32, #tpu.memory_space<hbm>>
      tpu.wait_dma2 semaphore(%run_scoped3A : memref<!tpu.dma_semaphore, #tpu.memory_space<semaphore_mem>>) src(%dma_wait3A_86 : memref<128xi32, #tpu.memory_space<hbm>>) dst(%arg7 : memref<128xi32, #tpu.memory_space<vmem>>)
      tpu.yield
    }) : () -> ()
    %mul3A_31 = arith.constant 4096 : i32
    %mul3A_32 = arith.muli %select_n3A, %mul3A_31 : i32
    %mul3A_33 = arith.constant 64 : i32
    %mul3A_34 = arith.muli %select_n3A_30, %mul3A_33 : i32
    %add3A_35 = arith.constant 0 : i32
    %add3A_36 = arith.addi %mul3A_34, %add3A_35 : i32
    %get3A = arith.index_cast %add3A_36 : i32 to index
    %get3A_37 = tpu.vector_load %arg7[%get3A] {strides = array<i32>} : memref<128xi32, #tpu.memory_space<vmem>>, vector<16xi32>,
    %add3A_38 = vector.broadcast %mul3A_32 : i32 to vector<16xi32>
    %add3A_39 = arith.addi %get3A_37, %add3A_38 : vector<16xi32>
    %swap3A = arith.constant 0 : index
    %swap3A_40 = tpu.vector_load %arg8[%swap3A] {strides = array<i32>} : memref<64xi32, #tpu.memory_space<vmem>>, vector<16xi32>,
    tpu.vector_store %arg8[%swap3A], %add3A_39 {strides = array<i32>} : memref<64xi32, #tpu.memory_space<vmem>>, vector<16xi32>,
    %add3A_41 = arith.constant 16 : i32
    %add3A_42 = arith.addi %mul3A_34, %add3A_41 : i32
    %get3A_43 = arith.index_cast %add3A_42 : i32 to index
    %get3A_44 = tpu.vector_load %arg7[%get3A_43] {strides = array<i32>} : memref<128xi32, #tpu.memory_space<vmem>>, vector<16xi32>,
    %add3A_45 = vector.broadcast %mul3A_32 : i32 to vector<16xi32>
    %add3A_46 = arith.addi %get3A_44, %add3A_45 : vector<16xi32>
    %swap3A_47 = arith.constant 16 : index
    %swap3A_48 = tpu.vector_load %arg8[%swap3A_47] {strides = array<i32>} : memref<64xi32, #tpu.memory_space<vmem>>, vector<16xi32>,
    tpu.vector_store %arg8[%swap3A_47], %add3A_46 {strides = array<i32>} : memref<64xi32, #tpu.memory_space<vmem>>, vector<16xi32>,
    %add3A_49 = arith.constant 32 : i32
    %add3A_50 = arith.addi %mul3A_34, %add3A_49 : i32
    %get3A_51 = arith.index_cast %add3A_50 : i32 to index
    %get3A_52 = tpu.vector_load %arg7[%get3A_51] {strides = array<i32>} : memref<128xi32, #tpu.memory_space<vmem>>, vector<16xi32>,
    %add3A_53 = vector.broadcast %mul3A_32 : i32 to vector<16xi32>
    %add3A_54 = arith.addi %get3A_52, %add3A_53 : vector<16xi32>
    %swap3A_55 = arith.constant 32 : index
    %swap3A_56 = tpu.vector_load %arg8[%swap3A_55] {strides = array<i32>} : memref<64xi32, #tpu.memory_space<vmem>>, vector<16xi32>,
    tpu.vector_store %arg8[%swap3A_55], %add3A_54 {strides = array<i32>} : memref<64xi32, #tpu.memory_space<vmem>>, vector<16xi32>,
    %add3A_57 = arith.constant 48 : i32
    %add3A_58 = arith.addi %mul3A_34, %add3A_57 : i32
    %get3A_59 = arith.index_cast %add3A_58 : i32 to index
    %get3A_60 = tpu.vector_load %arg7[%get3A_59] {strides = array<i32>} : memref<128xi32, #tpu.memory_space<vmem>>, vector<16xi32>,
    %add3A_61 = vector.broadcast %mul3A_32 : i32 to vector<16xi32>
    %add3A_62 = arith.addi %get3A_60, %add3A_61 : vector<16xi32>
    %swap3A_63 = arith.constant 48 : index
    %swap3A_64 = tpu.vector_load %arg8[%swap3A_63] {strides = array<i32>} : memref<64xi32, #tpu.memory_space<vmem>>, vector<16xi32>,
    tpu.vector_store %arg8[%swap3A_63], %add3A_62 {strides = array<i32>} : memref<64xi32, #tpu.memory_space<vmem>>, vector<16xi32>,
    %dma_start3A = arith.constant 0 : i32
    %dma_start3A_65 = arith.constant 0 : i32
    %dma_start3A_66 = tpu.memref_slice %arg2[%dma_start3A, %dma_start3A_65] : memref<65536x128xf32, #tpu.memory_space<hbm>> -> memref<65536x128xf32, #tpu.memory_space<hbm>>
    tpu.enqueue_indirect_dma source(%dma_start3A_66 : memref<65536x128xf32, #tpu.memory_space<hbm>>) target(%arg10 : memref<64x128xf32, #tpu.memory_space<vmem>>) offsets(%arg8 : memref<64xi32, #tpu.memory_space<vmem>>) semaphore(%arg11 : memref<!tpu.dma_semaphore, #tpu.memory_space<semaphore_mem>>)
    %dma_start3A_67 = arith.constant 0 : i32
    %dma_start3A_68 = tpu.memref_slice %arg3[%dma_start3A_67] : memref<65536xi32, #tpu.memory_space<hbm>> -> memref<65536xi32, #tpu.memory_space<hbm>>
    tpu.enqueue_indirect_dma source(%dma_start3A_68 : memref<65536xi32, #tpu.memory_space<hbm>>) target(%arg9 : memref<64xi32, #tpu.memory_space<vmem>>) offsets(%arg8 : memref<64xi32, #tpu.memory_space<vmem>>) semaphore(%arg12 : memref<!tpu.dma_semaphore, #tpu.memory_space<semaphore_mem>>)
    %dma_wait3A = arith.constant 0 : i32
    %dma_wait3A_69 = arith.constant 0 : i32
    %dma_wait3A_70 = tpu.memref_slice %arg2[%dma_wait3A, %dma_wait3A_69] : memref<65536x128xf32, #tpu.memory_space<hbm>> -> memref<65536x128xf32, #tpu.memory_space<hbm>>
    tpu.wait_indirect_dma semaphore(%arg11 : memref<!tpu.dma_semaphore, #tpu.memory_space<semaphore_mem>>) src(%dma_wait3A_70 : memref<65536x128xf32, #tpu.memory_space<hbm>>) dst(%arg10 : memref<64x128xf32, #tpu.memory_space<vmem>>)
    %dma_wait3A_71 = arith.constant 0 : i32
    %dma_wait3A_72 = tpu.memref_slice %arg3[%dma_wait3A_71] : memref<65536xi32, #tpu.memory_space<hbm>> -> memref<65536xi32, #tpu.memory_space<hbm>>
    tpu.wait_indirect_dma semaphore(%arg12 : memref<!tpu.dma_semaphore, #tpu.memory_space<semaphore_mem>>) src(%dma_wait3A_72 : memref<65536xi32, #tpu.memory_space<hbm>>) dst(%arg9 : memref<64xi32, #tpu.memory_space<vmem>>)
    %mul3A_73 = arith.constant 64 : i32
    %mul3A_74 = arith.muli %add3A, %mul3A_73 : i32
    "tpu.region"() ({
      %run_scoped3A = tpu.sem_alloc : memref<!tpu.dma_semaphore, #tpu.memory_space<semaphore_mem>>
      %dma_start3A_75 = arith.constant 0 : i32
      %dma_start3A_76 = tpu.memref_slice %arg5[%mul3A_74, %dma_start3A_75] : memref<2048x128xf32, #tpu.memory_space<hbm>> -> memref<64x128xf32, #tpu.memory_space<hbm>>
      %dma_start3A_77 = arith.constant 0 : i32
      %dma_start3A_78 = tpu.memref_slice %arg5[%mul3A_74, %dma_start3A_77] : memref<2048x128xf32, #tpu.memory_space<hbm>> -> memref<64x128xf32, #tpu.memory_space<hbm>>
      tpu.enqueue_dma source(%arg10 : memref<64x128xf32, #tpu.memory_space<vmem>>) target(%dma_start3A_78 : memref<64x128xf32, #tpu.memory_space<hbm>>) target_semaphore(%run_scoped3A : memref<!tpu.dma_semaphore, #tpu.memory_space<semaphore_mem>>)
      %dma_wait3A_79 = arith.constant 0 : i32
      %dma_wait3A_80 = tpu.memref_slice %arg5[%mul3A_74, %dma_wait3A_79] : memref<2048x128xf32, #tpu.memory_space<hbm>> -> memref<64x128xf32, #tpu.memory_space<hbm>>
      %dma_wait3A_81 = arith.constant 0 : i32
      %dma_wait3A_82 = tpu.memref_slice %arg5[%mul3A_74, %dma_wait3A_81] : memref<2048x128xf32, #tpu.memory_space<hbm>> -> memref<64x128xf32, #tpu.memory_space<hbm>>
      tpu.wait_dma2 semaphore(%run_scoped3A : memref<!tpu.dma_semaphore, #tpu.memory_space<semaphore_mem>>) src(%arg10 : memref<64x128xf32, #tpu.memory_space<vmem>>) dst(%dma_wait3A_82 : memref<64x128xf32, #tpu.memory_space<hbm>>)
      tpu.yield
    }) : () -> ()
    "tpu.region"() ({
      %run_scoped3A = tpu.sem_alloc : memref<!tpu.dma_semaphore, #tpu.memory_space<semaphore_mem>>
      %dma_start3A_75 = arith.constant 0 : i32
      %dma_start3A_76 = tpu.memref_slice %arg6[%add3A, %dma_start3A_75] : memref<32x64xi32, #tpu.memory_space<hbm>> -> memref<1x64xi32, #tpu.memory_space<hbm>>
      %dma_start3A_77 = tpu.memref_squeeze %dma_start3A_76 : memref<1x64xi32, #tpu.memory_space<hbm>> -> memref<64xi32, #tpu.memory_space<hbm>>
      %dma_start3A_78 = arith.constant 0 : i32
      %dma_start3A_79 = tpu.memref_slice %arg6[%add3A, %dma_start3A_78] : memref<32x64xi32, #tpu.memory_space<hbm>> -> memref<1x64xi32, #tpu.memory_space<hbm>>
      %dma_start3A_80 = tpu.memref_squeeze %dma_start3A_79 : memref<1x64xi32, #tpu.memory_space<hbm>> -> memref<64xi32, #tpu.memory_space<hbm>>
      tpu.enqueue_dma source(%arg9 : memref<64xi32, #tpu.memory_space<vmem>>) target(%dma_start3A_80 : memref<64xi32, #tpu.memory_space<hbm>>) target_semaphore(%run_scoped3A : memref<!tpu.dma_semaphore, #tpu.memory_space<semaphore_mem>>)
      %dma_wait3A_81 = arith.constant 0 : i32
      %dma_wait3A_82 = tpu.memref_slice %arg6[%add3A, %dma_wait3A_81] : memref<32x64xi32, #tpu.memory_space<hbm>> -> memref<1x64xi32, #tpu.memory_space<hbm>>
      %dma_wait3A_83 = tpu.memref_squeeze %dma_wait3A_82 : memref<1x64xi32, #tpu.memory_space<hbm>> -> memref<64xi32, #tpu.memory_space<hbm>>
      %dma_wait3A_84 = arith.constant 0 : i32
      %dma_wait3A_85 = tpu.memref_slice %arg6[%add3A, %dma_wait3A_84] : memref<32x64xi32, #tpu.memory_space<hbm>> -> memref<1x64xi32, #tpu.memory_space<hbm>>
      %dma_wait3A_86 = tpu.memref_squeeze %dma_wait3A_85 : memref<1x64xi32, #tpu.memory_space<hbm>> -> memref<64xi32, #tpu.memory_space<hbm>>
      tpu.wait_dma2 semaphore(%run_scoped3A : memref<!tpu.dma_semaphore, #tpu.memory_space<semaphore_mem>>) src(%arg9 : memref<64xi32, #tpu.memory_space<vmem>>) dst(%dma_wait3A_86 : memref<64xi32, #tpu.memory_space<hbm>>)
      tpu.yield
    }) : () -> ()
    return
  }
}

module attributes {stable_mosaic.version = 14 : i64} {
  func.func @_tc_body(%arg0: i32, %arg1: memref<16x4096xf32, #tpu.memory_space<vmem>>, %arg2: memref<1x4096x128xf32, #tpu.memory_space<vmem>>, %arg3: memref<128x128xf32, #tpu.memory_space<vmem>>, %arg4: memref<16x128xi32, #tpu.memory_space<vmem>>, %arg5: memref<16x128xi32, #tpu.memory_space<vmem>>, %arg6: memref<16x128xi32, #tpu.memory_space<vmem>>, %arg7: memref<128x128xf32, #tpu.memory_space<vmem>>, %arg8: memref<1x128xf32, #tpu.memory_space<vmem>>, %arg9: memref<128x128xf32, #tpu.memory_space<vmem>>, %arg10: memref<1x128xf32, #tpu.memory_space<vmem>>, %arg11: memref<1x128xf32, #tpu.memory_space<vmem>>, %arg12: memref<1x128xf32, #tpu.memory_space<vmem>>, %arg13: memref<1x128xf32, #tpu.memory_space<vmem>>, %arg14: memref<1x1xf32, #tpu.memory_space<vmem>>, %arg15: memref<1x128xf32, #tpu.memory_space<vmem>>, %arg16: memref<1x1xf32, #tpu.memory_space<vmem>>, %arg17: memref<128x128xf32, #tpu.memory_space<vmem>>, %arg18: memref<1x128xf32, #tpu.memory_space<vmem>>, %arg19: memref<1x128xf32, #tpu.memory_space<vmem>>, %arg20: memref<1x1xf32, #tpu.memory_space<vmem>>, %arg21: memref<16x128xf32, #tpu.memory_space<vmem>>, %arg22: memref<1x1xf32, #tpu.memory_space<vmem>>, %arg23: memref<16x128xf32, #tpu.memory_space<vmem>>) attributes {dimension_semantics = [#tpu.dimension_semantics<arbitrary>], iteration_bounds = array<i64: 16>, scalar_prefetch = 0 : i64, scratch_operands = 1 : i64, tpu.core_type = #tpu.core_type<tc>, window_params = [{pipeline_mode = #tpu.pipeline_mode<synchronous>, transform_indices = @transform_0, window_bounds = array<i64: 16, 4096>}, {transform_indices = @transform_1, window_bounds = array<i64: 1, 4096, 128>}, {transform_indices = @transform_2, window_bounds = array<i64: 128, 128>}, {pipeline_mode = #tpu.pipeline_mode<synchronous>, transform_indices = @transform_3, window_bounds = array<i64: 16, 128>}, {pipeline_mode = #tpu.pipeline_mode<synchronous>, transform_indices = @transform_4, window_bounds = array<i64: 16, 128>}, {pipeline_mode = #tpu.pipeline_mode<synchronous>, transform_indices = @transform_5, window_bounds = array<i64: 16, 128>}, {pipeline_mode = #tpu.pipeline_mode<synchronous>, transform_indices = @transform_6, window_bounds = array<i64: 128, 128>}, {pipeline_mode = #tpu.pipeline_mode<synchronous>, transform_indices = @transform_7, window_bounds = array<i64: 1, 128>}, {pipeline_mode = #tpu.pipeline_mode<synchronous>, transform_indices = @transform_8, window_bounds = array<i64: 128, 128>}, {pipeline_mode = #tpu.pipeline_mode<synchronous>, transform_indices = @transform_9, window_bounds = array<i64: 1, 128>}, {pipeline_mode = #tpu.pipeline_mode<synchronous>, transform_indices = @transform_10, window_bounds = array<i64: 1, 128>}, {pipeline_mode = #tpu.pipeline_mode<synchronous>, transform_indices = @transform_11, window_bounds = array<i64: 1, 128>}, {pipeline_mode = #tpu.pipeline_mode<synchronous>, transform_indices = @transform_12, window_bounds = array<i64: 1, 128>}, {pipeline_mode = #tpu.pipeline_mode<synchronous>, transform_indices = @transform_13, window_bounds = array<i64: 1, 1>}, {pipeline_mode = #tpu.pipeline_mode<synchronous>, transform_indices = @transform_14, window_bounds = array<i64: 1, 128>}, {pipeline_mode = #tpu.pipeline_mode<synchronous>, transform_indices = @transform_15, window_bounds = array<i64: 1, 1>}, {pipeline_mode = #tpu.pipeline_mode<synchronous>, transform_indices = @transform_16, window_bounds = array<i64: 128, 128>}, {pipeline_mode = #tpu.pipeline_mode<synchronous>, transform_indices = @transform_17, window_bounds = array<i64: 1, 128>}, {pipeline_mode = #tpu.pipeline_mode<synchronous>, transform_indices = @transform_18, window_bounds = array<i64: 1, 128>}, {pipeline_mode = #tpu.pipeline_mode<synchronous>, transform_indices = @transform_19, window_bounds = array<i64: 1, 1>}, {pipeline_mode = #tpu.pipeline_mode<synchronous>, transform_indices = @transform_20, window_bounds = array<i64: 16, 128>}, {pipeline_mode = #tpu.pipeline_mode<synchronous>, transform_indices = @transform_21, window_bounds = array<i64: 1, 1>}]} {
    %get3A = arith.index_cast %arg0 : i32 to index
    %get3A_0 = arith.constant 0 : index
    %get3A_1 = vector.load %arg1[%get3A, %get3A_0] : memref<16x4096xf32, #tpu.memory_space<vmem>>, vector<1x4096xf32>
    %slice3A = vector.extract_strided_slice %get3A_1 {offsets = [0, 0], sizes = [1, 1024], strides = [1, 1]} : vector<1x4096xf32> to vector<1x1024xf32>
    %get3A_2 = arith.constant 0 : index
    %get3A_3 = arith.constant 0 : index
    %get3A_4 = arith.constant 0 : index
    %get3A_5 = vector.load %arg2[%get3A_2, %get3A_3, %get3A_4] : memref<1x4096x128xf32, #tpu.memory_space<vmem>>, vector<1x4096x128xf32>
    %get3A_6 = vector.shape_cast %get3A_5 : vector<1x4096x128xf32> to vector<4096x128xf32>
    %slice3A_7 = vector.extract_strided_slice %get3A_6 {offsets = [0, 0], sizes = [1024, 128], strides = [1, 1]} : vector<4096x128xf32> to vector<1024x128xf32>
    %dot_general3A = arith.constant dense<0.000000e+00> : vector<1x128xf32>
    %dot_general3A_8 = tpu.matmul %slice3A, %slice3A_7, %dot_general3A {dimension_numbers = #tpu.dot_dimension_numbers<[1], [0], [0], [1], [0, 0, 1, 1], [], []>, transpose_lhs_hint = false} : vector<1x1024xf32>, vector<1024x128xf32>, vector<1x128xf32> -> vector<1x128xf32>
    %slice3A_9 = vector.extract_strided_slice %get3A_1 {offsets = [0, 1024], sizes = [1, 1024], strides = [1, 1]} : vector<1x4096xf32> to vector<1x1024xf32>
    %get3A_10 = arith.constant 0 : index
    %get3A_11 = arith.constant 0 : index
    %get3A_12 = arith.constant 0 : index
    %get3A_13 = vector.load %arg2[%get3A_10, %get3A_11, %get3A_12] : memref<1x4096x128xf32, #tpu.memory_space<vmem>>, vector<1x4096x128xf32>
    %get3A_14 = vector.shape_cast %get3A_13 : vector<1x4096x128xf32> to vector<4096x128xf32>
    %slice3A_15 = vector.extract_strided_slice %get3A_14 {offsets = [1024, 0], sizes = [1024, 128], strides = [1, 1]} : vector<4096x128xf32> to vector<1024x128xf32>
    %dot_general3A_16 = arith.constant dense<0.000000e+00> : vector<1x128xf32>
    %dot_general3A_17 = tpu.matmul %slice3A_9, %slice3A_15, %dot_general3A_16 {dimension_numbers = #tpu.dot_dimension_numbers<[1], [0], [0], [1], [0, 0, 1, 1], [], []>, transpose_lhs_hint = false} : vector<1x1024xf32>, vector<1024x128xf32>, vector<1x128xf32> -> vector<1x128xf32>
    %slice3A_18 = vector.extract_strided_slice %get3A_1 {offsets = [0, 2048], sizes = [1, 1024], strides = [1, 1]} : vector<1x4096xf32> to vector<1x1024xf32>
    %get3A_19 = arith.constant 0 : index
    %get3A_20 = arith.constant 0 : index
    %get3A_21 = arith.constant 0 : index
    %get3A_22 = vector.load %arg2[%get3A_19, %get3A_20, %get3A_21] : memref<1x4096x128xf32, #tpu.memory_space<vmem>>, vector<1x4096x128xf32>
    %get3A_23 = vector.shape_cast %get3A_22 : vector<1x4096x128xf32> to vector<4096x128xf32>
    %slice3A_24 = vector.extract_strided_slice %get3A_23 {offsets = [2048, 0], sizes = [1024, 128], strides = [1, 1]} : vector<4096x128xf32> to vector<1024x128xf32>
    %dot_general3A_25 = arith.constant dense<0.000000e+00> : vector<1x128xf32>
    %dot_general3A_26 = tpu.matmul %slice3A_18, %slice3A_24, %dot_general3A_25 {dimension_numbers = #tpu.dot_dimension_numbers<[1], [0], [0], [1], [0, 0, 1, 1], [], []>, transpose_lhs_hint = false} : vector<1x1024xf32>, vector<1024x128xf32>, vector<1x128xf32> -> vector<1x128xf32>
    %slice3A_27 = vector.extract_strided_slice %get3A_1 {offsets = [0, 3072], sizes = [1, 1024], strides = [1, 1]} : vector<1x4096xf32> to vector<1x1024xf32>
    %get3A_28 = arith.constant 0 : index
    %get3A_29 = arith.constant 0 : index
    %get3A_30 = arith.constant 0 : index
    %get3A_31 = vector.load %arg2[%get3A_28, %get3A_29, %get3A_30] : memref<1x4096x128xf32, #tpu.memory_space<vmem>>, vector<1x4096x128xf32>
    %get3A_32 = vector.shape_cast %get3A_31 : vector<1x4096x128xf32> to vector<4096x128xf32>
    %slice3A_33 = vector.extract_strided_slice %get3A_32 {offsets = [3072, 0], sizes = [1024, 128], strides = [1, 1]} : vector<4096x128xf32> to vector<1024x128xf32>
    %dot_general3A_34 = arith.constant dense<0.000000e+00> : vector<1x128xf32>
    %dot_general3A_35 = tpu.matmul %slice3A_27, %slice3A_33, %dot_general3A_34 {dimension_numbers = #tpu.dot_dimension_numbers<[1], [0], [0], [1], [0, 0, 1, 1], [], []>, transpose_lhs_hint = false} : vector<1x1024xf32>, vector<1024x128xf32>, vector<1x128xf32> -> vector<1x128xf32>
    %add3A = arith.addf %dot_general3A_8, %dot_general3A_17 : vector<1x128xf32>
    %add3A_36 = arith.addf %dot_general3A_26, %dot_general3A_35 : vector<1x128xf32>
    %add3A_37 = arith.addf %add3A, %add3A_36 : vector<1x128xf32>
    %swap3A = arith.index_cast %arg0 : i32 to index
    %swap3A_38 = arith.constant 0 : index
    %swap3A_39 = vector.load %arg23[%swap3A, %swap3A_38] : memref<16x128xf32, #tpu.memory_space<vmem>>, vector<1x128xf32>
    tpu.vector_store %arg23[%swap3A, %swap3A_38], %add3A_37 {strides = array<i32>} : memref<16x128xf32, #tpu.memory_space<vmem>>, vector<1x128xf32>,
    %reduce_sum3A = vector.shape_cast %get3A_1 : vector<1x4096xf32> to vector<1x1x4096xf32>
    %reduce_sum3A_40 = arith.constant dense<0.000000e+00> : vector<1xf32>
    %reduce_sum3A_41 = vector.multi_reduction <add>, %reduce_sum3A, %reduce_sum3A_40 [1, 2] : vector<1x1x4096xf32> to vector<1xf32>
    %reduce_sum3A_42 = vector.shape_cast %reduce_sum3A_41 : vector<1xf32> to vector<1x1x1xf32>
    %reduce_sum3A_43 = vector.extract %reduce_sum3A_42[0, 0, 0] : f32 from vector<1x1x1xf32>
    %eq3A = arith.constant 0.000000e+00 : f32
    %eq3A_44 = arith.cmpf oeq, %reduce_sum3A_43, %eq3A : f32
    %get3A_45 = arith.constant 0 : index
    %get3A_46 = arith.constant 0 : index
    %get3A_47 = vector.load %arg3[%get3A_45, %get3A_46] : memref<128x128xf32, #tpu.memory_space<vmem>>, vector<128x128xf32>
    %jit3A = arith.constant 0.000000e+00 : f32
    %jit3A_48 = arith.constant 1.000000e+00 : f32
    %select_n3A = arith.select %eq3A_44, %jit3A, %jit3A_48 : f32
    %mul3A = vector.broadcast %select_n3A : f32 to vector<128x128xf32>
    %mul3A_49 = arith.mulf %get3A_47, %mul3A : vector<128x128xf32>
    %get3A_50 = arith.constant 0 : index
    %get3A_51 = arith.constant 0 : index
    %get3A_52 = vector.load %arg7[%get3A_50, %get3A_51] : memref<128x128xf32, #tpu.memory_space<vmem>>, vector<128x128xf32>
    %dot_general3A_53 = arith.constant dense<0.000000e+00> : vector<128x128xf32>
    %dot_general3A_54 = tpu.matmul %mul3A_49, %get3A_52, %dot_general3A_53 {dimension_numbers = #tpu.dot_dimension_numbers<[1], [0], [0], [1], [0, 0, 1, 1], [], []>, transpose_lhs_hint = false} : vector<128x128xf32>, vector<128x128xf32>, vector<128x128xf32> -> vector<128x128xf32>
    %get3A_55 = arith.constant 0 : index
    %get3A_56 = arith.constant 0 : index
    %get3A_57 = vector.load %arg8[%get3A_55, %get3A_56] : memref<1x128xf32, #tpu.memory_space<vmem>>, vector<1x128xf32>
    %add3A_58 = vector.broadcast %get3A_57 : vector<1x128xf32> to vector<128x128xf32>
    %add3A_59 = arith.addf %dot_general3A_54, %add3A_58 : vector<128x128xf32>
    %reduce_sum3A_60 = arith.constant dense<0.000000e+00> : vector<128xf32>
    %reduce_sum3A_61 = vector.multi_reduction <add>, %add3A_59, %reduce_sum3A_60 [1] : vector<128x128xf32> to vector<128xf32>
    %broadcast_in_dim3A = vector.shape_cast %reduce_sum3A_61 : vector<128xf32> to vector<128x1xf32>
    %div3A = arith.constant 1.280000e+02 : f32
    %div3A_62 = vector.broadcast %div3A : f32 to vector<128x1xf32>
    %div3A_63 = arith.divf %broadcast_in_dim3A, %div3A_62 : vector<128x1xf32>
    %sub3A = vector.broadcast %div3A_63 : vector<128x1xf32> to vector<128x128xf32>
    %sub3A_64 = arith.subf %add3A_59, %sub3A : vector<128x128xf32>
    %mul3A_65 = arith.mulf %sub3A_64, %sub3A_64 : vector<128x128xf32>
    %reduce_sum3A_66 = arith.constant dense<0.000000e+00> : vector<128xf32>
    %reduce_sum3A_67 = vector.multi_reduction <add>, %mul3A_65, %reduce_sum3A_66 [1] : vector<128x128xf32> to vector<128xf32>
    %broadcast_in_dim3A_68 = vector.shape_cast %reduce_sum3A_67 : vector<128xf32> to vector<128x1xf32>
    %div3A_69 = arith.constant 1.280000e+02 : f32
    %div3A_70 = vector.broadcast %div3A_69 : f32 to vector<128x1xf32>
    %div3A_71 = arith.divf %broadcast_in_dim3A_68, %div3A_70 : vector<128x1xf32>
    %add3A_72 = arith.constant 9.99999974E-6 : f32
    %add3A_73 = vector.broadcast %add3A_72 : f32 to vector<128x1xf32>
    %add3A_74 = arith.addf %div3A_71, %add3A_73 : vector<128x1xf32>
    %rsqrt3A = math.rsqrt %add3A_74 : vector<128x1xf32>
    %mul3A_75 = vector.broadcast %rsqrt3A : vector<128x1xf32> to vector<128x128xf32>
    %mul3A_76 = arith.mulf %sub3A_64, %mul3A_75 : vector<128x128xf32>
    %get3A_77 = arith.constant 0 : index
    %get3A_78 = arith.constant 0 : index
    %get3A_79 = vector.load %arg11[%get3A_77, %get3A_78] : memref<1x128xf32, #tpu.memory_space<vmem>>, vector<1x128xf32>
    %mul3A_80 = vector.broadcast %get3A_79 : vector<1x128xf32> to vector<128x128xf32>
    %mul3A_81 = arith.mulf %mul3A_76, %mul3A_80 : vector<128x128xf32>
    %get3A_82 = arith.constant 0 : index
    %get3A_83 = arith.constant 0 : index
    %get3A_84 = vector.load %arg12[%get3A_82, %get3A_83] : memref<1x128xf32, #tpu.memory_space<vmem>>, vector<1x128xf32>
    %add3A_85 = vector.broadcast %get3A_84 : vector<1x128xf32> to vector<128x128xf32>
    %add3A_86 = arith.addf %mul3A_81, %add3A_85 : vector<128x128xf32>
    %get3A_87 = arith.constant 0 : index
    %get3A_88 = arith.constant 0 : index
    %get3A_89 = vector.load %arg13[%get3A_87, %get3A_88] : memref<1x128xf32, #tpu.memory_space<vmem>>, vector<1x128xf32>
    %dot_general3A_90 = arith.constant dense<0.000000e+00> : vector<1x128xf32>
    %dot_general3A_91 = tpu.matmul %get3A_89, %add3A_86, %dot_general3A_90 {dimension_numbers = #tpu.dot_dimension_numbers<[1], [1], [0], [0], [0, 0, 1, 0], [], []>, transpose_lhs_hint = false} : vector<1x128xf32>, vector<128x128xf32>, vector<1x128xf32> -> vector<1x128xf32>
    %get3A_92 = arith.constant 0 : index
    %get3A_93 = arith.constant 0 : index
    %get3A_94 = vector.load %arg14[%get3A_92, %get3A_93] : memref<1x1xf32, #tpu.memory_space<vmem>>, vector<1x1xf32>
    %add3A_95 = vector.broadcast %get3A_94 : vector<1x1xf32> to vector<1x128xf32>
    %add3A_96 = arith.addf %dot_general3A_91, %add3A_95 : vector<1x128xf32>
    %tanh3A = math.tanh %add3A_96 : vector<1x128xf32>
    %mul3A_97 = arith.constant 5.000000e+00 : f32
    %mul3A_98 = vector.broadcast %mul3A_97 : f32 to vector<1x128xf32>
    %mul3A_99 = arith.mulf %tanh3A, %mul3A_98 : vector<1x128xf32>
    %get3A_100 = arith.index_cast %arg0 : i32 to index
    %get3A_101 = arith.constant 0 : index
    %get3A_102 = vector.load %arg5[%get3A_100, %get3A_101] : memref<16x128xi32, #tpu.memory_space<vmem>>, vector<1x128xi32>
    %get3A_103 = arith.index_cast %arg0 : i32 to index
    %get3A_104 = arith.constant 0 : index
    %get3A_105 = vector.load %arg6[%get3A_103, %get3A_104] : memref<16x128xi32, #tpu.memory_space<vmem>>, vector<1x128xi32>
    %get3A_106 = arith.index_cast %arg0 : i32 to index
    %get3A_107 = arith.constant 0 : index
    %get3A_108 = vector.load %arg4[%get3A_106, %get3A_107] : memref<16x128xi32, #tpu.memory_space<vmem>>, vector<1x128xi32>
    %eq3A_109 = arith.constant 0 : i32
    %eq3A_110 = vector.broadcast %eq3A_109 : i32 to vector<1x128xi32>
    %eq3A_111 = arith.cmpi eq, %get3A_102, %eq3A_110 : vector<1x128xi32>
    %convert_element_type3A = arith.extui %eq3A_111 : vector<1x128xi1> to vector<1x128xi32>
    %convert_element_type3A_112 = arith.sitofp %convert_element_type3A : vector<1x128xi32> to vector<1x128xf32>
    %gt3A = arith.constant 0 : i32
    %gt3A_113 = vector.broadcast %gt3A : i32 to vector<1x128xi32>
    %gt3A_114 = arith.cmpi sgt, %get3A_108, %gt3A_113 : vector<1x128xi32>
    %convert_element_type3A_115 = arith.extui %gt3A_114 : vector<1x128xi1> to vector<1x128xi32>
    %convert_element_type3A_116 = arith.sitofp %convert_element_type3A_115 : vector<1x128xi32> to vector<1x128xf32>
    %gt3A_117 = arith.constant 0 : i32
    %gt3A_118 = vector.broadcast %gt3A_117 : i32 to vector<1x128xi32>
    %gt3A_119 = arith.cmpi sgt, %get3A_105, %gt3A_118 : vector<1x128xi32>
    %convert_element_type3A_120 = arith.extui %gt3A_119 : vector<1x128xi1> to vector<1x128xi32>
    %convert_element_type3A_121 = arith.sitofp %convert_element_type3A_120 : vector<1x128xi32> to vector<1x128xf32>
    %select_n3A_122 = arith.select %eq3A_44, %convert_element_type3A_112, %convert_element_type3A_116 : vector<1x128xf32>
    %mul3A_123 = arith.mulf %convert_element_type3A_121, %select_n3A_122 : vector<1x128xf32>
    %iota3A = tpu.iota {dimensions = array<i32: 0>} : vector<128x128xi32>
    %iota3A_124 = tpu.iota {dimensions = array<i32: 1>} : vector<128x128xi32>
    %broadcast_in_dim3A_125 = vector.shape_cast %mul3A_123 : vector<1x128xf32> to vector<1x128xf32>
    %broadcast_in_dim3A_126 = vector.broadcast %broadcast_in_dim3A_125 : vector<1x128xf32> to vector<128x128xf32>
    %lt3A = arith.cmpi slt, %iota3A_124, %iota3A : vector<128x128xi32>
    %jit3A_127 = arith.constant 0.000000e+00 : f32
    %broadcast_in_dim3A_128 = vector.broadcast %jit3A_127 : f32 to vector<128x128xf32>
    %select_n3A_129 = arith.select %lt3A, %broadcast_in_dim3A_126, %broadcast_in_dim3A_128 : vector<128x128xi1>, vector<128x128xf32>
    %reduce_sum3A_130 = arith.constant dense<0.000000e+00> : vector<128xf32>
    %reduce_sum3A_131 = vector.multi_reduction <add>, %select_n3A_129, %reduce_sum3A_130 [1] : vector<128x128xf32> to vector<128xf32>
    %broadcast_in_dim3A_132 = vector.shape_cast %reduce_sum3A_131 : vector<128xf32> to vector<128x1xf32>
    %eq3A_133 = arith.cmpi eq, %iota3A_124, %iota3A : vector<128x128xi32>
    %jit3A_134 = arith.constant 0.000000e+00 : f32
    %broadcast_in_dim3A_135 = vector.broadcast %jit3A_134 : f32 to vector<128x128xf32>
    %select_n3A_136 = arith.select %eq3A_133, %broadcast_in_dim3A_126, %broadcast_in_dim3A_135 : vector<128x128xi1>, vector<128x128xf32>
    %reduce_sum3A_137 = arith.constant dense<0.000000e+00> : vector<128xf32>
    %reduce_sum3A_138 = vector.multi_reduction <add>, %select_n3A_136, %reduce_sum3A_137 [1] : vector<128x128xf32> to vector<128xf32>
    %broadcast_in_dim3A_139 = vector.shape_cast %reduce_sum3A_138 : vector<128xf32> to vector<128x1xf32>
    %convert_element_type3A_140 = arith.sitofp %iota3A_124 : vector<128x128xi32> to vector<128x128xf32>
    %eq3A_141 = vector.broadcast %broadcast_in_dim3A_132 : vector<128x1xf32> to vector<128x128xf32>
    %eq3A_142 = arith.cmpf oeq, %eq3A_141, %convert_element_type3A_140 : vector<128x128xf32>
    %gt3A_143 = arith.constant 0.000000e+00 : f32
    %gt3A_144 = vector.broadcast %gt3A_143 : f32 to vector<128x1xf32>
    %gt3A_145 = arith.cmpf ogt, %broadcast_in_dim3A_139, %gt3A_144 : vector<128x1xf32>
    %and3A = vector.broadcast %gt3A_145 : vector<128x1xi1> to vector<128x128xi1>
    %and3A_146 = arith.andi %eq3A_142, %and3A : vector<128x128xi1>
    %convert_element_type3A_147 = arith.extui %and3A_146 : vector<128x128xi1> to vector<128x128xi32>
    %convert_element_type3A_148 = arith.sitofp %convert_element_type3A_147 : vector<128x128xi32> to vector<128x128xf32>
    %dot_general3A_149 = arith.constant dense<0.000000e+00> : vector<1x128xf32>
    %dot_general3A_150 = tpu.matmul %mul3A_99, %convert_element_type3A_148, %dot_general3A_149 {dimension_numbers = #tpu.dot_dimension_numbers<[1], [0], [0], [1], [0, 0, 1, 1], [], []>, transpose_lhs_hint = false} : vector<1x128xf32>, vector<128x128xf32>, vector<1x128xf32> -> vector<1x128xf32>
    %reduce_sum3A_151 = vector.shape_cast %mul3A_123 : vector<1x128xf32> to vector<1x1x128xf32>
    %reduce_sum3A_152 = arith.constant dense<0.000000e+00> : vector<1xf32>
    %reduce_sum3A_153 = vector.multi_reduction <add>, %reduce_sum3A_151, %reduce_sum3A_152 [1, 2] : vector<1x1x128xf32> to vector<1xf32>
    %reduce_sum3A_154 = vector.shape_cast %reduce_sum3A_153 : vector<1xf32> to vector<1x1x1xf32>
    %reduce_sum3A_155 = vector.extract %reduce_sum3A_154[0, 0, 0] : f32 from vector<1x1x1xf32>
    %iota3A_156 = tpu.iota {dimensions = array<i32: 1>} : vector<1x128xi32>
    %convert_element_type3A_157 = arith.sitofp %iota3A_156 : vector<1x128xi32> to vector<1x128xf32>
    %lt3A_158 = vector.broadcast %reduce_sum3A_155 : f32 to vector<1x128xf32>
    %lt3A_159 = arith.cmpf olt, %convert_element_type3A_157, %lt3A_158 : vector<1x128xf32>
    %jit3A_160 = arith.constant -1.000000e+09 : f32
    %broadcast_in_dim3A_161 = vector.broadcast %jit3A_160 : f32 to vector<1x128xf32>
    %select_n3A_162 = arith.select %lt3A_159, %dot_general3A_150, %broadcast_in_dim3A_161 : vector<1x128xi1>, vector<1x128xf32>
    %swap3A_163 = arith.index_cast %arg0 : i32 to index
    %swap3A_164 = arith.constant 0 : index
    %swap3A_165 = vector.load %arg21[%swap3A_163, %swap3A_164] : memref<16x128xf32, #tpu.memory_space<vmem>>, vector<1x128xf32>
    tpu.vector_store %arg21[%swap3A_163, %swap3A_164], %select_n3A_162 {strides = array<i32>} : memref<16x128xf32, #tpu.memory_space<vmem>>, vector<1x128xf32>,
    %eq3A_166 = arith.constant 15 : i32
    %eq3A_167 = arith.cmpi eq, %arg0, %eq3A_166 : i32
    %convert_element_type3A_168 = arith.extui %eq3A_167 : i1 to i32
    %cond3A = arith.constant 0 : i32
    %cond3A_169 = arith.cmpi ne, %convert_element_type3A_168, %cond3A : i32
    scf.if %cond3A_169 {
      %get3A_170 = arith.constant 0 : index
      %get3A_171 = arith.constant 0 : index
      %get3A_172 = vector.load %arg1[%get3A_170, %get3A_171] : memref<16x4096xf32, #tpu.memory_space<vmem>>, vector<16x4096xf32>
      %reduce_sum3A_173 = arith.constant dense<0.000000e+00> : vector<16xf32>
      %reduce_sum3A_174 = vector.multi_reduction <add>, %get3A_172, %reduce_sum3A_173 [1] : vector<16x4096xf32> to vector<16xf32>
      %broadcast_in_dim3A_175 = vector.shape_cast %reduce_sum3A_174 : vector<16xf32> to vector<16x1xf32>
      %max3A = arith.constant 1.000000e+00 : f32
      %max3A_176 = vector.broadcast %max3A : f32 to vector<16x1xf32>
      %max3A_177 = arith.maximumf %broadcast_in_dim3A_175, %max3A_176 : vector<16x1xf32>
      %get3A_178 = arith.constant 0 : index
      %get3A_179 = arith.constant 0 : index
      %get3A_180 = vector.load %arg23[%get3A_178, %get3A_179] : memref<16x128xf32, #tpu.memory_space<vmem>>, vector<16x128xf32>
      %div3A_181 = vector.broadcast %max3A_177 : vector<16x1xf32> to vector<16x128xf32>
      %div3A_182 = arith.divf %get3A_180, %div3A_181 : vector<16x128xf32>
      %get3A_183 = arith.constant 0 : index
      %get3A_184 = arith.constant 0 : index
      %get3A_185 = vector.load %arg9[%get3A_183, %get3A_184] : memref<128x128xf32, #tpu.memory_space<vmem>>, vector<128x128xf32>
      %dot_general3A_186 = arith.constant dense<0.000000e+00> : vector<16x128xf32>
      %dot_general3A_187 = tpu.matmul %div3A_182, %get3A_185, %dot_general3A_186 {dimension_numbers = #tpu.dot_dimension_numbers<[1], [0], [0], [1], [0, 0, 1, 1], [], []>, transpose_lhs_hint = false} : vector<16x128xf32>, vector<128x128xf32>, vector<16x128xf32> -> vector<16x128xf32>
      %get3A_188 = arith.constant 0 : index
      %get3A_189 = arith.constant 0 : index
      %get3A_190 = vector.load %arg10[%get3A_188, %get3A_189] : memref<1x128xf32, #tpu.memory_space<vmem>>, vector<1x128xf32>
      %add3A_191 = vector.broadcast %get3A_190 : vector<1x128xf32> to vector<16x128xf32>
      %add3A_192 = arith.addf %dot_general3A_187, %add3A_191 : vector<16x128xf32>
      %get3A_193 = arith.constant 0 : index
      %get3A_194 = arith.constant 0 : index
      %get3A_195 = vector.load %arg15[%get3A_193, %get3A_194] : memref<1x128xf32, #tpu.memory_space<vmem>>, vector<1x128xf32>
      %dot_general3A_196 = arith.constant dense<0.000000e+00> : vector<1x16xf32>
      %dot_general3A_197 = tpu.matmul %get3A_195, %add3A_192, %dot_general3A_196 {dimension_numbers = #tpu.dot_dimension_numbers<[1], [1], [0], [0], [0, 0, 1, 0], [], []>, transpose_lhs_hint = false} : vector<1x128xf32>, vector<16x128xf32>, vector<1x16xf32> -> vector<1x16xf32>
      %get3A_198 = arith.constant 0 : index
      %get3A_199 = arith.constant 0 : index
      %get3A_200 = vector.load %arg16[%get3A_198, %get3A_199] : memref<1x1xf32, #tpu.memory_space<vmem>>, vector<1x1xf32>
      %add3A_201 = vector.broadcast %get3A_200 : vector<1x1xf32> to vector<1x16xf32>
      %add3A_202 = arith.addf %dot_general3A_197, %add3A_201 : vector<1x16xf32>
      %reduce_max3A = arith.constant dense<0xFF800000> : vector<1xf32>
      %reduce_max3A_203 = vector.multi_reduction <maximumf>, %add3A_202, %reduce_max3A [1] : vector<1x16xf32> to vector<1xf32>
      %broadcast_in_dim3A_204 = vector.shape_cast %reduce_max3A_203 : vector<1xf32> to vector<1x1xf32>
      %sub3A_205 = vector.broadcast %broadcast_in_dim3A_204 : vector<1x1xf32> to vector<1x16xf32>
      %sub3A_206 = arith.subf %add3A_202, %sub3A_205 : vector<1x16xf32>
      %exp3A = math.exp %sub3A_206 : vector<1x16xf32>
      %reduce_sum3A_207 = arith.constant dense<0.000000e+00> : vector<1xf32>
      %reduce_sum3A_208 = vector.multi_reduction <add>, %exp3A, %reduce_sum3A_207 [1] : vector<1x16xf32> to vector<1xf32>
      %broadcast_in_dim3A_209 = vector.shape_cast %reduce_sum3A_208 : vector<1xf32> to vector<1x1xf32>
      %div3A_210 = vector.broadcast %broadcast_in_dim3A_209 : vector<1x1xf32> to vector<1x16xf32>
      %div3A_211 = arith.divf %exp3A, %div3A_210 : vector<1x16xf32>
      %dot_general3A_212 = arith.constant dense<0.000000e+00> : vector<1x128xf32>
      %dot_general3A_213 = tpu.matmul %div3A_211, %add3A_192, %dot_general3A_212 {dimension_numbers = #tpu.dot_dimension_numbers<[1], [0], [0], [1], [0, 0, 1, 1], [], []>, transpose_lhs_hint = false} : vector<1x16xf32>, vector<16x128xf32>, vector<1x128xf32> -> vector<1x128xf32>
      %get3A_214 = arith.constant 0 : index
      %get3A_215 = arith.constant 0 : index
      %get3A_216 = vector.load %arg17[%get3A_214, %get3A_215] : memref<128x128xf32, #tpu.memory_space<vmem>>, vector<128x128xf32>
      %dot_general3A_217 = arith.constant dense<0.000000e+00> : vector<1x128xf32>
      %dot_general3A_218 = tpu.matmul %dot_general3A_213, %get3A_216, %dot_general3A_217 {dimension_numbers = #tpu.dot_dimension_numbers<[1], [0], [0], [1], [0, 0, 1, 1], [], []>, transpose_lhs_hint = false} : vector<1x128xf32>, vector<128x128xf32>, vector<1x128xf32> -> vector<1x128xf32>
      %get3A_219 = arith.constant 0 : index
      %get3A_220 = arith.constant 0 : index
      %get3A_221 = vector.load %arg18[%get3A_219, %get3A_220] : memref<1x128xf32, #tpu.memory_space<vmem>>, vector<1x128xf32>
      %add3A_222 = arith.addf %dot_general3A_218, %get3A_221 : vector<1x128xf32>
      %max3A_223 = arith.constant 0.000000e+00 : f32
      %max3A_224 = vector.broadcast %max3A_223 : f32 to vector<1x128xf32>
      %max3A_225 = arith.maximumf %add3A_222, %max3A_224 : vector<1x128xf32>
      %get3A_226 = arith.constant 0 : index
      %get3A_227 = arith.constant 0 : index
      %get3A_228 = vector.load %arg19[%get3A_226, %get3A_227] : memref<1x128xf32, #tpu.memory_space<vmem>>, vector<1x128xf32>
      %mul3A_229 = arith.mulf %max3A_225, %get3A_228 : vector<1x128xf32>
      %reduce_sum3A_230 = arith.constant dense<0.000000e+00> : vector<1xf32>
      %reduce_sum3A_231 = vector.multi_reduction <add>, %mul3A_229, %reduce_sum3A_230 [1] : vector<1x128xf32> to vector<1xf32>
      %broadcast_in_dim3A_232 = vector.shape_cast %reduce_sum3A_231 : vector<1xf32> to vector<1x1xf32>
      %get3A_233 = arith.constant 0 : index
      %get3A_234 = arith.constant 0 : index
      %get3A_235 = vector.load %arg20[%get3A_233, %get3A_234] : memref<1x1xf32, #tpu.memory_space<vmem>>, vector<1x1xf32>
      %add3A_236 = arith.addf %broadcast_in_dim3A_232, %get3A_235 : vector<1x1xf32>
      %swap3A_237 = arith.constant 0 : index
      %swap3A_238 = arith.constant 0 : index
      %swap3A_239 = vector.load %arg22[%swap3A_237, %swap3A_238] : memref<1x1xf32, #tpu.memory_space<vmem>>, vector<1x1xf32>
      tpu.vector_store %arg22[%swap3A_237, %swap3A_238], %add3A_236 {strides = array<i32>} : memref<1x1xf32, #tpu.memory_space<vmem>>, vector<1x1xf32>,
    } else {
    }
    return
  }
  func.func @transform_0(%arg0: i32) -> (i32, i32) {
    %c0_i32 = arith.constant 0 : i32
    %c0_i32_0 = arith.constant 0 : i32
    %c0_i32_1 = arith.constant 0 : i32
    return %c0_i32, %c0_i32_0 : i32, i32
  }
  func.func @transform_1(%arg0: i32) -> (i32, i32, i32) {
    %c0_i32 = arith.constant 0 : i32
    %c0_i32_0 = arith.constant 0 : i32
    %c0_i32_1 = arith.constant 0 : i32
    return %arg0, %c0_i32, %c0_i32_0 : i32, i32, i32
  }
  func.func @transform_2(%arg0: i32) -> (i32, i32) {
    %c0_i32 = arith.constant 0 : i32
    %c0_i32_0 = arith.constant 0 : i32
    return %arg0, %c0_i32 : i32, i32
  }
  func.func @transform_3(%arg0: i32) -> (i32, i32) {
    %c0_i32 = arith.constant 0 : i32
    %c0_i32_0 = arith.constant 0 : i32
    %c0_i32_1 = arith.constant 0 : i32
    return %c0_i32, %c0_i32_0 : i32, i32
  }
  func.func @transform_4(%arg0: i32) -> (i32, i32) {
    %c0_i32 = arith.constant 0 : i32
    %c0_i32_0 = arith.constant 0 : i32
    %c0_i32_1 = arith.constant 0 : i32
    return %c0_i32, %c0_i32_0 : i32, i32
  }
  func.func @transform_5(%arg0: i32) -> (i32, i32) {
    %c0_i32 = arith.constant 0 : i32
    %c0_i32_0 = arith.constant 0 : i32
    %c0_i32_1 = arith.constant 0 : i32
    return %c0_i32, %c0_i32_0 : i32, i32
  }
  func.func @transform_6(%arg0: i32) -> (i32, i32) {
    %c0_i32 = arith.constant 0 : i32
    %c0_i32_0 = arith.constant 0 : i32
    %c0_i32_1 = arith.constant 0 : i32
    return %c0_i32, %c0_i32_0 : i32, i32
  }
  func.func @transform_7(%arg0: i32) -> (i32, i32) {
    %c0_i32 = arith.constant 0 : i32
    %c0_i32_0 = arith.constant 0 : i32
    %c0_i32_1 = arith.constant 0 : i32
    return %c0_i32, %c0_i32_0 : i32, i32
  }
  func.func @transform_8(%arg0: i32) -> (i32, i32) {
    %c0_i32 = arith.constant 0 : i32
    %c0_i32_0 = arith.constant 0 : i32
    %c0_i32_1 = arith.constant 0 : i32
    return %c0_i32, %c0_i32_0 : i32, i32
  }
  func.func @transform_9(%arg0: i32) -> (i32, i32) {
    %c0_i32 = arith.constant 0 : i32
    %c0_i32_0 = arith.constant 0 : i32
    %c0_i32_1 = arith.constant 0 : i32
    return %c0_i32, %c0_i32_0 : i32, i32
  }
  func.func @transform_10(%arg0: i32) -> (i32, i32) {
    %c0_i32 = arith.constant 0 : i32
    %c0_i32_0 = arith.constant 0 : i32
    %c0_i32_1 = arith.constant 0 : i32
    return %c0_i32, %c0_i32_0 : i32, i32
  }
  func.func @transform_11(%arg0: i32) -> (i32, i32) {
    %c0_i32 = arith.constant 0 : i32
    %c0_i32_0 = arith.constant 0 : i32
    %c0_i32_1 = arith.constant 0 : i32
    return %c0_i32, %c0_i32_0 : i32, i32
  }
  func.func @transform_12(%arg0: i32) -> (i32, i32) {
    %c0_i32 = arith.constant 0 : i32
    %c0_i32_0 = arith.constant 0 : i32
    %c0_i32_1 = arith.constant 0 : i32
    return %c0_i32, %c0_i32_0 : i32, i32
  }
  func.func @transform_13(%arg0: i32) -> (i32, i32) {
    %c0_i32 = arith.constant 0 : i32
    %c0_i32_0 = arith.constant 0 : i32
    %c0_i32_1 = arith.constant 0 : i32
    return %c0_i32, %c0_i32_0 : i32, i32
  }
  func.func @transform_14(%arg0: i32) -> (i32, i32) {
    %c0_i32 = arith.constant 0 : i32
    %c0_i32_0 = arith.constant 0 : i32
    %c0_i32_1 = arith.constant 0 : i32
    return %c0_i32, %c0_i32_0 : i32, i32
  }
  func.func @transform_15(%arg0: i32) -> (i32, i32) {
    %c0_i32 = arith.constant 0 : i32
    %c0_i32_0 = arith.constant 0 : i32
    %c0_i32_1 = arith.constant 0 : i32
    return %c0_i32, %c0_i32_0 : i32, i32
  }
  func.func @transform_16(%arg0: i32) -> (i32, i32) {
    %c0_i32 = arith.constant 0 : i32
    %c0_i32_0 = arith.constant 0 : i32
    %c0_i32_1 = arith.constant 0 : i32
    return %c0_i32, %c0_i32_0 : i32, i32
  }
  func.func @transform_17(%arg0: i32) -> (i32, i32) {
    %c0_i32 = arith.constant 0 : i32
    %c0_i32_0 = arith.constant 0 : i32
    %c0_i32_1 = arith.constant 0 : i32
    return %c0_i32, %c0_i32_0 : i32, i32
  }
  func.func @transform_18(%arg0: i32) -> (i32, i32) {
    %c0_i32 = arith.constant 0 : i32
    %c0_i32_0 = arith.constant 0 : i32
    %c0_i32_1 = arith.constant 0 : i32
    return %c0_i32, %c0_i32_0 : i32, i32
  }
  func.func @transform_19(%arg0: i32) -> (i32, i32) {
    %c0_i32 = arith.constant 0 : i32
    %c0_i32_0 = arith.constant 0 : i32
    %c0_i32_1 = arith.constant 0 : i32
    return %c0_i32, %c0_i32_0 : i32, i32
  }
  func.func @transform_20(%arg0: i32) -> (i32, i32) {
    %c0_i32 = arith.constant 0 : i32
    %c0_i32_0 = arith.constant 0 : i32
    %c0_i32_1 = arith.constant 0 : i32
    return %c0_i32, %c0_i32_0 : i32, i32
  }
  func.func @transform_21(%arg0: i32) -> (i32, i32) {
    %c0_i32 = arith.constant 0 : i32
    %c0_i32_0 = arith.constant 0 : i32
    %c0_i32_1 = arith.constant 0 : i32
    return %c0_i32, %c0_i32_0 : i32, i32
  }
}

</mosaic_0001>

<sc_bundles>
// kernel: kernel.4.cloned.1.call-start
scs
__scs_entry_jumppad:
0x0: {  	(pc) =	sbr.rel $0x88, $3  }
0x1: {  	(tag) =	ssettag $0x0;
	lr =	simm.s32 $0x1  }
0x2: {  	[smem:$0x3F8F] =	sst lr;
	_ =	strace $0xD0000000  }
0x3: {  	_ = 	snop  }
0x4: {  	_ = 	snop  }
0x5: {  	_ = 	snop  }
0x6: {  	_ = 	snop  }
0x7: {  	_ = 	snop  }
__scs_overlays_trampoline_lowered:
0x8: {  	[smem:$0x3F9E] =	sst s0  }
0x9: {  	[smem:$0x3F9F] =	sst s1  }
0xa: {  	[smem:$0x3FA0] =	sst s2  }
0xb: {  	[smem:$0x3FA1] =	sst s3  }
0xc: {  	[smem:$0x3FA2] =	sst s4  }
0xd: {  	[smem:$0x3FA3] =	sst s5  }
0xe: {  	[smem:$0x3FA4] =	sst s6  }
0xf: {  	[smem:$0x3FA5] =	sst s7  }
0x10: {  	[smem:$0x3FA6] =	sst s8  }
0x11: {  	[smem:$0x3FA7] =	sst s9;
	s0 =	simm.s32 @!p0 $0x0  }
0x12: {  	s1 =	sld [smem:$0x3F8D];
	s0 =	simm.s32 @p0 $0x1  }
0x13: {  	[smem:$0x3FA8] =	sst s0;
	s0 =	simm.s32 @!p1 $0x0  }
0x14: {  	s2 =	sld [smem:$0x3F8C];
	s0 =	simm.s32 @p1 $0x1  }
0x15: {  	[smem:$0x3FA9] =	sst s0;
	s0 =	simm.s32 @!p2 $0x0  }
0x16: {  	s3 =	sld [smem:$0x3FDB];
	s0 =	simm.s32 @p2 $0x1  }
0x17: {  	s4 =	simm.s32 $0x1BF5;
	[smem:$0x3FAB] =	sst s0  }
0x18: {  	s0 =	sld [smem:$0x3F8E];
	_ =	swait.ge [sflag:s4], $0x0  }
0x19: {  	s7 =	sld [smem:$0x3F8F]  }
0x1a: {  	s8 =	sadd.s32 $0xFFFFE003, lr  }
0x1b: {  	s9 =	sadd.s32 $0xFFFFFEF7, lr;
	s5 =	simm.s32 $0xFFFFFFFF;
	p2 =	slt.u32 s8, $0xFFFFF086  }
0x1c: {  	p1 =	slt.u32 s9, $0xF7A;
	s5 =	simm.s32 @!p2 $0x0  }
0x1d: {  	s5 =	simm.s32 @p1 $0x1;
	p0 =	seq.s32 s7, s2  }
0x1e: {  	s7 =	smul.u32 @!p0 $0xF7A, s2;
	p2 =	seq.s32 @!p0 s5, $0x0  }
0x1f: {  	s9 =	smul.u32 $0xF7A, s1;
	s8 =	simm.s32 @!p0 $0x1BF5;
	p2 =	por !p2, p0  }
0x20: {  	[sflag:s8] =	ssyncset.s32 @!p0 $0xFFFFF086;
	s6 =	sadd.s32 @!p0 s3, s7;
	s7 =	simm.s32 @!p0 $0x108  }
0x21: {  	s3 =	sadd.s32 s3, s9;
	s6 =	sadd.s32 @!p0 $0x88, s6;
	s7 =	simm.s32 @p2 $0x1082  }
0x22: {  	[simem:s7], [sflag:s8] =	dma.local @!p0 [hbm:s6], $0xF7A  }
0x23: {  	s9 =	sor.u32 $0xD0000000, s2;
	s6 =	simm.s32 $0x108;
	_ =	swait.ge @!p0 [sflag:s8], $0x0  }
0x24: {  	s3 =	sadd.s32 $0x88, s3;
	s6 =	simm.s32 @!p1 $0x1082;
	[sflag:s4] =	ssyncset.s32 $0xFFFFF086  }
0x25: {  	[simem:s6], [sflag:s4] =	dma.local [hbm:s3], $0xF7A  }
0x26: {  	[smem:$0x3F8F] =	sst s1;
	(tag) =	ssettag s2;
	_ =	strace s9  }
0x27: {  	s1 =	sld [smem:$0x3F9F]  }
0x28: {  	s2 =	sld [smem:$0x3FA0]  }
0x29: {  	s4 =	sld [smem:$0x3FA2]  }
0x2a: {  	p0 =	seq.s32 s5, $0x0;
	s5 =	sld [smem:$0x3FA3]  }
0x2b: {  	s6 =	sld [smem:$0x3FA4]  }
0x2c: {  	s7 =	sld [smem:$0x3FA5]  }
0x2d: {  	s3 =	simm.s32 $0x108;
	s8 =	sld [smem:$0x3FA6]  }
0x2e: {  	s3 =	simm.s32 @!p0 $0x1082;
	s9 =	sld [smem:$0x3FA7]  }
0x2f: {  	lr =	sadd.s32 s0, s3;
	s0 =	sld [smem:$0x3F9E]  }
0x30: {  	s3 =	sld [smem:$0x3FA1]  }
0x31: {  	[smem:$0x3FAA] =	sst s10  }
0x32: {  	s10 =	sld [smem:$0x3FA8];
	_ =	sdelay $0x3  }
0x33: {  	p0 =	seq.s32 s10, $0x1;
	s10 =	sld [smem:$0x3FAA];
	_ =	sdelay $0x3  }
0x34: {  	[smem:$0x3FAA] =	sst s10  }
0x35: {  	s10 =	sld [smem:$0x3FA9];
	_ =	sdelay $0x3  }
0x36: {  	p1 =	seq.s32 s10, $0x1;
	s10 =	sld [smem:$0x3FAA];
	_ =	sdelay $0x3  }
0x37: {  	[smem:$0x3FAA] =	sst s10  }
0x38: {  	s10 =	sld [smem:$0x3FAB]  }
0x39: {  	_ = 	snop;
	(pc) =	sbr.ind lr, $3  }
0x3a: {  	_ = 	snop  }
0x3b: {  	_ = 	snop  }
0x3c: {  	p2 =	seq.s32 s10, $0x1;
	s10 =	sld [smem:$0x3FAA]  }
0x3d: {  	_ =	shalt  }
0x3e: {  	_ =	shalt  }
0x3f: {  	_ =	shalt  }
0x40: {  	_ =	shalt  }
0x41: {  	_ =	shalt  }
0x42: {  	_ =	shalt  }
0x43: {  	_ =	shalt  }
0x44: {  	_ =	shalt  }
0x45: {  	_ =	shalt  }
0x46: {  	_ =	shalt  }
0x47: {  	_ =	shalt  }
0x48: {  	_ =	shalt  }
0x49: {  	_ =	shalt  }
0x4a: {  	_ =	shalt  }
0x4b: {  	_ =	shalt  }
0x4c: {  	_ =	shalt  }
0x4d: {  	_ =	shalt  }
0x4e: {  	_ =	shalt  }
0x4f: {  	_ =	shalt  }
0x50: {  	_ =	shalt  }
0x51: {  	_ =	shalt  }
0x52: {  	_ =	shalt  }
0x53: {  	_ =	shalt  }
0x54: {  	_ =	shalt  }
0x55: {  	_ =	shalt  }
0x56: {  	_ =	shalt  }
0x57: {  	_ =	shalt  }
0x58: {  	_ =	shalt  }
0x59: {  	_ =	shalt  }
0x5a: {  	_ =	shalt  }
0x5b: {  	_ =	shalt  }
0x5c: {  	_ =	shalt  }
0x5d: {  	_ =	shalt  }
0x5e: {  	_ =	shalt  }
0x5f: {  	_ =	shalt  }
0x60: {  	_ =	shalt  }
0x61: {  	_ =	shalt  }
0x62: {  	_ =	shalt  }
0x63: {  	_ =	shalt  }
0x64: {  	_ =	shalt  }
0x65: {  	_ =	shalt  }
0x66: {  	_ =	shalt  }
0x67: {  	_ =	shalt  }
0x68: {  	_ =	shalt  }
0x69: {  	_ =	shalt  }
0x6a: {  	_ =	shalt  }
0x6b: {  	_ =	shalt  }
0x6c: {  	_ =	shalt  }
0x6d: {  	_ =	shalt  }
0x6e: {  	_ =	shalt  }
0x6f: {  	_ =	shalt  }
0x70: {  	_ =	shalt  }
0x71: {  	_ =	shalt  }
0x72: {  	_ =	shalt  }
0x73: {  	_ =	shalt  }
0x74: {  	_ =	shalt  }
0x75: {  	_ =	shalt  }
0x76: {  	_ =	shalt  }
0x77: {  	_ =	shalt  }
0x78: {  	_ =	shalt  }
0x79: {  	_ =	shalt  }
0x7a: {  	_ =	shalt  }
0x7b: {  	_ =	shalt  }
0x7c: {  	_ =	shalt  }
0x7d: {  	_ =	shalt  }
0x7e: {  	_ =	shalt  }
0x7f: {  	_ =	shalt  }
0x80: {  	_ =	shalt  }
0x81: {  	_ =	shalt  }
0x82: {  	_ =	shalt  }
0x83: {  	_ =	shalt  }
0x84: {  	_ =	shalt  }
0x85: {  	_ =	shalt  }
0x86: {  	_ =	shalt  }
0x87: {  	_ =	shalt  }
.Lfunc_end0:
.L_simem_size_0:
called_computation_lowered:
.L_overlay_start_0:
0x88: {  	s2 =	sld [smem:$0x3FD9]  }
0x89: {  	s3 =	sld [smem:$0x3FFE];
	_ =	sdelay $0x1  }
0x8a: {  	s1 =	srdreg.scid  }
0x8b: {  	s0 =	sand.u32 $0x1, s1  }
0x8c: {  	s17 =	sshll.u32 s0, $0xA;
	s2 =	sadd.s32 s3, s2  }
0x8d: {  	s2 =	sadd.s32 s2, s17  }
0x8e: {  	[smem:$0x3FB6] =	sst s2  }
0x8f: {  	_ = 	snop  }
0x90: {  	s2 =	sld [smem:$0x3FC9]  }
0x91: {  	s18 =	sld [smem:$0x3FC7];
	(tm) =	ssettm $0x1  }
0x92: {  	s4 =	sld [smem:$0x3FFB];
	_ =	sdelay $0x3  }
0x93: {  	_ =	strace s4  }
0x94: {  	s4 =	sld [smem:$0x3FFC];
	_ =	sdelay $0x3  }
0x95: {  	_ =	strace s4  }
0x96: {  	s4 =	sld [smem:$0x3FFD];
	_ =	sdelay $0x3  }
0x97: {  	_ =	strace s4  }
0x98: {  	_ =	strace $0x8FFFFFFF  }
0x99: {  	s19 =	sld [smem:$0x3FDB];
	_ =	sdelay $0x1  }
0x9a: {  	s5 =	simm.s32 $_scs_section_size  }
0x9b: {  	s6 =	simm.s32 $_size__tile_overlayer_lowered;
	s7 =	simm.s32 $_tile_overlayer_lowered  }
0x9c: {  	s22 =	simm.s32 $0x1BFF;
	s21 =	sshll.u32 s7, $0x1;
	s4 =	sadd.s32 s5, s19  }
0x9d: {  	s8 =	simm.s32 $0x0;
	s20 =	sshll.u32 s6, $0x1;
	s6 =	sadd.s32 s21, s4  }
0x9e: {  	[timem:s8], [sflag:s22] =	dma.local [hbm:s6], s20  }
0x9f: {  	_ =	swait.ge [sflag:s22], s20  }
0xa0: {  	s5 =	ssub.s32 $0x0, s20;
	[sflag:s22] =	ssyncset.done $0x0  }
0xa1: {  	[sflag:s22] =	ssyncadd.s32 s5;
	_ =	sdelay $0x1  }
0xa2: {  	s23 =	simm.s32 $0x1B8B  }
0xa3: {  	_ =	swait.ge [sflag:s23], $0x1  }
0xa4: {  	[sflag:s23] =	ssyncset.done $0x0  }
0xa5: {  	s25 =	simm.s32 $0x1B8E;
	s24 =	sld [smem:$0x3FFE];
	[sflag:s23] =	ssyncadd.s32 $0xFFFFFFFF  }
0xa6: {  	s26 =	simm.s32 $execute0_lowered;
	[smem:$0x3FD2] =	sst s25  }
0xa7: {  	s6 =	sshll.u32 s26, $0x1;
	_ =	strace $0x80000046;
	[dreg:$0x1] =	wrdreg $0xFFFFFFFF  }
0xa8: {  	s28 =	simm.s32 $_size_execute0_lowered;
	s4 =	sadd.s32 s4, s6;
	[dreg:$0x0] =	wrdreg $0x0  }
0xa9: {  	s6 =	sshll.u32 s28, $0x1;
	[dreg:$0x2] =	wrdreg s4  }
0xaa: {  	[dreg:$0x3] =	wrdreg s6  }
0xab: {  	[dreg:$0x4] =	wrdreg $0xC0  }
0xac: {  	_ =	task [dreg:s8], $0x5FFFF  }
0xad: {  	[dreg:$0x1] =	wrdreg $0xFFFFFFFF  }
0xae: {  	[dreg:$0x0] =	wrdreg $0x60  }
0xaf: {  	[dreg:$0x2] =	wrdreg s2  }
0xb0: {  	[dreg:$0x3] =	wrdreg s24  }
0xb1: {  	[dreg:$0x4] =	wrdreg s18  }
0xb2: {  	[dreg:$0x5] =	wrdreg $0x9  }
0xb3: {  	_ =	task.clear_ibuf [dreg:s8], $0x6FFFF;
	_ =	strace $0x90000046  }
0xb4: {  	s29 =	simm.s32 $0x9;
	_ =	strace $0x80000048  }
0xb5: {  	_ =	swait.ge [sflag:s29], $0x1  }
0xb6: {  	[sflag:s29] =	ssyncadd.s32 $0xFFFFFFFF  }
0xb7: {  	_ =	strace $0x90000048  }
0xb8: {  	_ =	sfence  }
0xb9: {  	s30 =	sld [smem:$0x0];
	_ =	sdelay $0x2  }
0xba: {  	s31 =	sshll.u32 s1, $0xD;
	s1 =	sshrl.u32 s1, $0x2  }
0xbb: {  	s3 =	sand.u32 $0x4000, s31;
	s1 =	sadd.s32 s1, s30  }
0xbc: {  	s0 =	sor.u32 s3, s0;
	s1 =	sshll.u32 s1, $0x11  }
0xbd: {  	s0 =	sor.u32 s1, s0  }
0xbe: {  	s0 =	sadd.s32 $0x8F2B, s0  }
0xbf: {  	[sflag:s0] =	ssyncadd.remote.s32 $0x1  }
0xc0: {  	_ =	sfence.sel $0xFFFF  }
0xc1: {  	[dreg:$0x0] =	wrdreg $0xFFFFFFFF;
	(pc) =	sbr.abs _section_cstart, $3  }
0xc2: {  	[dreg:$0x1] =	wrdreg $0xFFFFFFFF  }
0xc3: {  	_ =	task.clear_ibuf [dreg:s8], $0x2FFFF;
	_ =	strace $0x9FFFFFFF  }
0xc4: {  	(tm) =	ssettm $0x7FFFFFFF  }
0xc5: {  	_ =	shalt  }
tec
execute0_lowered:
.L_overlay_start_1:
0x0: {  	(tag) =	ssettag $0x1  }
0x1: {  	s1 =	srdreg.scid;
	s0 =	stileid.u32  }
0x2: {  	s14 =	sand.u32 $0x1, s1;
	s29 =	sshll.u32 s0, $0x1  }
0x3: {  	s15 =	sor.u32 s14, s29  }
0x4: {  	p1 =	seq.s32 s14, $0x1;
	p0 =	seq.s32 s15, $0x0  }
0x5: {  	p0 =	por !p0, !p1  }
0x6: {  	s2 =	rddreg [dreg:$0x0];
	s1 =	simm.s32 $0x1;
	p0 =	por !p0, !p0  }
0x7: {  	s16 =	rddreg [dreg:$0x1];
	s1 =	simm.s32 @!p0 $0x0  }
0x8: {  	s4 =	rddreg [dreg:$0x2];
	s3 =	simm.s32 $0x0;
	s7 =	ssub.s32 s0, s1  }
0x9: {  	[smem:$0x7FF] =	sst s3;
	s5 =	sshll.u32 s7, $0x4  }
0xa: {  	s1 =	rddreg [dreg:$0x3];
	s5 =	sand.u32 $0x1FFFFFF0, s5  }
0xb: {  	_ =	strace $0x80000047;
	s5 =	sadd.s32 s4, s5;
	s4 =	simm.s32 $0x3  }
0xc: {  	[tilespmem:s3], [sflag:$0x3] =	stream.linear.gather [hbm4b:s5+s3], $0x80, $0x38;
	[tilespmem:$0x2180] =	vst v63  }
0xd: {  	_ =	swait.ge [sflag:s4], $0x80  }
0xe: {  	[sflag:s4] =	ssyncset.done $0x0  }
0xf: {  	s6 =	sshll.u32 s14, $0x6;
	[sflag:s4] =	ssyncadd.s32 $0xFFFFFF80  }
0x10: {  	v1 =	vld [tilespmem:s6+$0x0];
	_ =	sdelay $0x2  }
0x11: {  	s7 =	sshll.u32 s7, $0xC  }
0x12: {  	v0 =	vmov s7  }
0x13: {  	v1 =	vadd.s32 v0, v1  }
0x14: {  	[tilespmem:$0x80] =	vst v1  }
0x15: {  	v1 =	vld [tilespmem:s6+$0x10];
	_ =	sdelay $0x4  }
0x16: {  	v1 =	vadd.s32 v0, v1  }
0x17: {  	[tilespmem:$0x90] =	vst v1  }
0x18: {  	v1 =	vld [tilespmem:s6+$0x20];
	_ =	sdelay $0x4  }
0x19: {  	v1 =	vadd.s32 v0, v1  }
0x1a: {  	[tilespmem:$0xA0] =	vst v1  }
0x1b: {  	v1 =	vld [tilespmem:s6+$0x30];
	_ =	sdelay $0x4  }
0x1c: {  	v1 =	vadd.s32 v0, v1  }
0x1d: {  	s8 =	simm.s32 $0x80;
	s9 =	simm.s32 $0x180;
	s7 =	simm.s32 $0x40;
	[tilespmem:$0xB0] =	vst v1  }
0x1e: {  	[tilespmem:s9], [sflag:$0x1] =	stream.indirect.gather [hbm4b:s2+s7], $0x80, s8, s7, $0xb8;
	[tilespmem:$0x2180] =	vst v63  }
0x1f: {  	s11 =	simm.s32 $0x1;
	s12 =	simm.s32 $0x100;
	s10 =	sadd.s32 $0x2800, s16  }
0x20: {  	[tilespmem:s12], [sflag:$0x2] =	stream.indirect.gather [hbm4b:s10+s7], $0x1, s8, s7, $0xb8;
	[tilespmem:$0x2180] =	vst v63  }
0x21: {  	_ =	swait.ge [sflag:s11], $0x2000  }
0x22: {  	s13 =	simm.s32 $0x2;
	s18 =	ssub.s32 $0x2, s14;
	[sflag:s11] =	ssyncset.done $0x0  }
0x23: {  	s17 =	sshll.u32 s15, $0xA;
	s15 =	sshll.u32 s15, $0x4;
	[sflag:s11] =	ssyncadd.s32 $0xFFFFE000  }
0x24: {  	s30 =	sshrl.u32 s18, $0x1;
	s17 =	sadd.s32 s17, s16;
	_ =	swait.ge [sflag:s13], $0x40  }
0x25: {  	s15 =	sadd.s32 s15, s16;
	s31 =	ssub.s32 s18, s30;
	[sflag:s13] =	ssyncset.done $0x0  }
0x26: {  	s14 =	sadd.s32 $0x4A00, s17;
	s16 =	smax.u32 s31, $0x1;
	[sflag:s13] =	ssyncadd.s32 $0xFFFFFFC0  }
0x27: {  	[hbm4b:s14+s3] =	stream.linear.scatter [tilespmem:s9], [sflag:$0x3], $0x2000, $0x38;
	[tilespmem:$0x2180] =	vst v63  }
0x28: {  	p0 =	sne.s32 s16, $0x1;
	_ =	swait.ge [sflag:s4], $0x2000  }
.Ltmp0:
0x29: {  	[sflag:s4] =	ssyncset.done $0x0;
	(pc) =	sbr.rel @!p0 .LBB2_2-.Ltmp0, $4  }
0x2a: {  	s15 =	sadd.s32 $0x4800, s15;
	[sflag:s4] =	ssyncadd.s32 $0xFFFFE000  }
0x2b: {  	[hbm4b:s15+s3] =	stream.linear.scatter [tilespmem:s12], [sflag:$0x3], $0x80, $0x38;
	[tilespmem:$0x2180] =	vst v63  }
0x2c: {  	_ =	swait.ge [sflag:s4], $0x80  }
0x2d: {  	s16 =	sadd.s32 $0xFFFFFFFF, s16;
	[sflag:s4] =	ssyncset.done $0x0  }
.LBB2_1:
0x2e: {  	p0 =	sne.s32 s16, $0x1;
	s16 =	sadd.s32 $0xFFFFFFFF, s16;
	[sflag:s4] =	ssyncadd.s32 $0xFFFFFF80  }
0x2f: {  	[tilespmem:s3], [sflag:$0x3] =	stream.linear.gather [hbm4b:s5+s3], $0x80, $0x38;
	[tilespmem:$0x2180] =	vst v63  }
0x30: {  	_ =	swait.ge [sflag:s4], $0x80  }
0x31: {  	[sflag:s4] =	ssyncset.done $0x0  }
0x32: {  	[sflag:s4] =	ssyncadd.s32 $0xFFFFFF80  }
0x33: {  	v1 =	vld [tilespmem:s6+$0x0];
	_ =	sdelay $0x4  }
0x34: {  	v1 =	vadd.s32 v0, v1  }
0x35: {  	[tilespmem:$0x80] =	vst v1  }
0x36: {  	v1 =	vld [tilespmem:s6+$0x10];
	_ =	sdelay $0x4  }
0x37: {  	v1 =	vadd.s32 v0, v1  }
0x38: {  	[tilespmem:$0x90] =	vst v1  }
0x39: {  	v1 =	vld [tilespmem:s6+$0x20];
	_ =	sdelay $0x4  }
0x3a: {  	v1 =	vadd.s32 v0, v1  }
0x3b: {  	[tilespmem:$0xA0] =	vst v1  }
0x3c: {  	v1 =	vld [tilespmem:s6+$0x30];
	_ =	sdelay $0x4  }
0x3d: {  	v1 =	vadd.s32 v0, v1  }
0x3e: {  	[tilespmem:$0xB0] =	vst v1  }
0x3f: {  	[tilespmem:s9], [sflag:$0x1] =	stream.indirect.gather [hbm4b:s2+s7], $0x80, s8, s7, $0xb8;
	[tilespmem:$0x2180] =	vst v63  }
0x40: {  	_ = 	snop  }
0x41: {  	[tilespmem:s12], [sflag:$0x2] =	stream.indirect.gather [hbm4b:s10+s7], $0x1, s8, s7, $0xb8;
	[tilespmem:$0x2180] =	vst v63  }
0x42: {  	_ =	swait.ge [sflag:s11], $0x2000  }
0x43: {  	[sflag:s11] =	ssyncset.done $0x0  }
0x44: {  	[sflag:s11] =	ssyncadd.s32 $0xFFFFE000  }
0x45: {  	_ =	swait.ge [sflag:s13], $0x40  }
0x46: {  	[sflag:s13] =	ssyncset.done $0x0  }
0x47: {  	[sflag:s13] =	ssyncadd.s32 $0xFFFFFFC0  }
0x48: {  	[hbm4b:s14+s3] =	stream.linear.scatter [tilespmem:s9], [sflag:$0x3], $0x2000, $0x38;
	[tilespmem:$0x2180] =	vst v63  }
0x49: {  	_ =	swait.ge [sflag:s4], $0x2000  }
.Ltmp1:
0x4a: {  	[sflag:s4] =	ssyncset.done $0x0;
	(pc) =	sbr.rel @p0 .LBB2_1-.Ltmp1, $4  }
0x4b: {  	[sflag:s4] =	ssyncadd.s32 $0xFFFFE000  }
0x4c: {  	[hbm4b:s15+s3] =	stream.linear.scatter [tilespmem:s12], [sflag:$0x3], $0x80, $0x38;
	[tilespmem:$0x2180] =	vst v63  }
0x4d: {  	_ =	swait.ge [sflag:s4], $0x80  }
0x4e: {  	[sflag:s4] =	ssyncset.done $0x0  }
.LBB2_2:
0x4f: {  	[sflag:s4] =	ssyncadd.s32 $0xFFFFFF80  }
0x50: {  	_ =	sfence.sel $0x180000  }
0x51: {  	[bflag:$0x0] =	sbarrier.arrive $0xFFFF  }
0x52: {  	p0 =	sne.s32 s0, $0x0;
	_ =	strace $0x90000047  }
0x53: {  	s0 =	sadd.s32 @!p0 $0x100000, s1;
	[bflag:$0x2] =	sbarrier.arrive $0xFFFF  }
0x54: {  	[sflag:s0] =	ssyncadd.tile.s32 @!p0 $0x1;
	_ =	shalt  }
.Lfunc_end2:
_tile_overlayer_lowered:
.L_overlay_start_2:
0x55: {  	(tag) =	ssettag $0x2  }
0x56: {  	s0 =	rddreg [dreg:$0x0];
	s2 =	stileid.u32  }
0x57: {  	s1 =	rddreg [dreg:$0x1];
	p0 =	sne.s32 s2, $0x0  }
0x58: {  	s3 =	rddreg [dreg:$0x2];
	[bflag:$0x3] =	sbarrier.arrive $0xFFFF;
	s2 =	simm.s32 @!p0 $0x1C03  }
0x59: {  	[timem:s3], [sflag:s2] =	dma.local @!p0 [hbm:s0], s1  }
0x5a: {  	s0 =	simm.s32 @!p0 $0x3  }
0x5b: {  	_ =	swait.ge @!p0 [sflag:s0], s1  }
0x5c: {  	s1 =	ssub.s32 @!p0 $0x0, s1;
	[sflag:s0] =	ssyncset.done @!p0 $0x0  }
0x5d: {  	[sflag:s0] =	ssyncadd.s32 @!p0 s1  }
0x5e: {  	[bflag:$0x3] =	sbarrier.arrive $0xFFFF  }
0x5f: {  	_ =	shalt  }

</sc_bundles>
